<compile_context>
chip_gen: v7x
topology: tpu7x:2x2x1
jax: 0.10.2.dev20260603
libtpu: 0.0.44.dev20260713+nightly
codegen_flags: <defaults>
</compile_context>

<pallas_src>
import jax
import jax.numpy as jnp
from jax import lax
from jax.experimental import pallas as pl
from jax.experimental.pallas import tpu as pltpu
from jax.experimental.pallas import tpu_sc as plsc

_N = 10000
_E = 320000
_G = 64
_NC = 2
_NS = 16
_NW = _NC * _NS
_L = 16

_NPAD = 10240
_PT = _NPAD // _NS
_SL = _NPAD // _NW

_EBLK = _E // 128
_EB_W = _EBLK // _NW
_ER_W = _EBLK - _EB_W * _NW
_EPT = _EB_W * 128
_EB_S = _EBLK // _NS
_ER_S = _EBLK - _EB_S * _NS
_EPS = _EB_S * 128

_mesh = plsc.VectorSubcoreMesh(
    core_axis_name="c", subcore_axis_name="s", num_cores=_NC, num_subcores=_NS
)

_sc_params = pltpu.CompilerParams(
    needs_layout_passes=False, disable_bounds_checks=True)


def _rsqrt16(x):
    i = plsc.bitcast(x, jnp.int32)
    y = plsc.bitcast(jnp.int32(0x5F3759DF) - (i >> 1), jnp.float32)
    for _ in range(3):
        y = y * (1.5 - 0.5 * x * y * y)
    return y



def _h_body(w_ref, x_ref, b_ref, h_ref, bp_ref):
    hv = lax.dot_general(
        w_ref[...], x_ref[...],
        dimension_numbers=(((1,), (1,)), ((), ())),
        preferred_element_type=jnp.float32,
    )
    h_ref[pl.ds(0, _N)] = hv[0, :]
    h_ref[pl.ds(_N, _NPAD - _N)] = jnp.zeros((_NPAD - _N,), jnp.float32)
    bp_ref[pl.ds(0, _N)] = b_ref[...]
    bp_ref[pl.ds(_N, _NPAD - _N)] = jnp.zeros((_NPAD - _N,), jnp.int32)


def _h_matvec(x, W1, batch):
    return pl.pallas_call(
        _h_body,
        out_shape=(
            jax.ShapeDtypeStruct((_NPAD,), jnp.float32),
            jax.ShapeDtypeStruct((_NPAD,), jnp.int32),
        ),
    )(W1, x, batch)



def _main_body(ei_hbm, h_hbm, batch_hbm,
               out_hbm, hists_hbm, s_hbm, c_hbm,
               ec_v, ch2_v, hist, hb_v,
               h_sl, b_sl, s_sl, c_sl, s_tab, c_tab, bins,
               sem_r, sem_c, sem_h):
    c = lax.axis_index("c")
    s = lax.axis_index("s")
    wid = c * _NS + s

    eb = pl.multiple_of((_EB_W * wid + jnp.minimum(wid, _ER_W)) * 128, 128)
    cp_e = pltpu.async_copy(
        ei_hbm.at[:, pl.ds(eb, _EPT)], ec_v.at[:, pl.ds(0, _EPT)], sem_r)
    eb2 = pl.multiple_of(
        eb + jnp.where(wid < _ER_W, _EPT, 0).astype(jnp.int32), 128)
    cp_e2 = pltpu.async_copy(
        ei_hbm.at[:, pl.ds(eb2, 128)], ec_v.at[:, pl.ds(_EPT, 128)], sem_r)
    hb = pl.multiple_of((_EB_S * s + jnp.minimum(s, _ER_S)) * 128, 128)
    cp_h = pltpu.async_copy(
        ei_hbm.at[:, pl.ds(hb, _EPS)], ch2_v.at[:, pl.ds(0, _EPS)], sem_h)
    hb2 = pl.multiple_of(
        hb + jnp.where(s < _ER_S, _EPS, 0).astype(jnp.int32), 128)
    cp_h2 = pltpu.async_copy(
        ei_hbm.at[:, pl.ds(hb2, 128)], ch2_v.at[:, pl.ds(_EPS, 128)], sem_h)

    nb = pl.multiple_of(s * _PT, _PT)
    with jax.named_scope("ph_stage"):
        pltpu.sync_copy(h_hbm.at[pl.ds(nb, _PT)], h_sl)
        pltpu.sync_copy(batch_hbm.at[pl.ds(nb, _PT)], b_sl)

        zi16 = jnp.zeros((_L,), jnp.int32)

        @pl.loop(0, _NPAD // _L, unroll=8)
        def _(k):
            hist[pl.ds(k * _L, _L)] = zi16

        cp_h.wait()
        cp_h2.wait()

    onesi = jnp.full((_L,), 1, jnp.int32)

    with jax.named_scope("ph_hist"):
        @pl.loop(0, _EPS // _L, unroll=8)
        def _(j):
            idx = ch2_v[1, pl.ds(j * _L, _L)]
            plsc.addupdate_scatter(hist, [idx], onesi)

        @pl.when(s < _ER_S)
        def _():
            @pl.loop(0, 128 // _L)
            def _(j):
                idx = ch2_v[1, pl.ds(_EPS + j * _L, _L)]
                plsc.addupdate_scatter(hist, [idx], onesi)

    with jax.named_scope("ph_hpub"):
        pltpu.sync_copy(
            hist, hists_hbm.at[pl.ds(pl.multiple_of(wid * _NPAD, _NPAD), _NPAD)])
        plsc.subcore_barrier()

        cps = []
        for t in range(_NS):
            src = pl.ds(pl.multiple_of((c * _NS + t) * _NPAD, _NPAD) + nb, _PT)
            cps.append(pltpu.async_copy(hists_hbm.at[src], hb_v.at[t], sem_h))
        for cp in cps:
            cp.wait()

    with jax.named_scope("ph_tab"):
        @pl.loop(0, _PT // _L)
        def _(k):
            sl = pl.ds(k * _L, _L)
            acc = hb_v[0, sl]
            for t in range(1, _NS):
                acc = acc + hb_v[t, sl]
            deg = acc.astype(jnp.float32) + 1.0
            y = _rsqrt16(deg)
            s_sl[sl] = h_sl[sl] * y
            c_sl[sl] = ((plsc.bitcast(y, jnp.int32) & jnp.int32(-1024))
                        | (b_sl[sl] << 4))

        pltpu.sync_copy(s_sl, s_hbm.at[pl.ds(nb, _PT)])
        pltpu.sync_copy(c_sl, c_hbm.at[pl.ds(nb, _PT)])
        plsc.subcore_barrier()

    with jax.named_scope("ph_fan"):
        cp_s = pltpu.async_copy(s_hbm, s_tab, sem_r)
        cp_t = pltpu.async_copy(c_hbm, c_tab, sem_c)

        z16 = jnp.zeros((_L,), jnp.float32)

        @pl.loop(0, _G)
        def _(g):
            bins[pl.ds(g * _L, _L)] = z16

        cp_e.wait()
        cp_e2.wait()
        cp_s.wait()
        cp_t.wait()

    lane = lax.iota(jnp.int32, _L)
    mhi = jnp.int32(-1024)
    mlo = jnp.int32(1008)

    with jax.named_scope("ph_edge"):
        @pl.loop(0, _EPT // _L, unroll=8)
        def _(j):
            sl = pl.ds(j * _L, _L)
            r = ec_v[0, sl]
            cc = ec_v[1, sl]
            sv = plsc.load_gather(s_tab, [r])
            cv = plsc.load_gather(c_tab, [cc])
            dv = plsc.bitcast(cv & mhi, jnp.float32)
            plsc.addupdate_scatter(bins, [(cv & mlo) + lane], sv * dv)

        @pl.when(wid < _ER_W)
        def _():
            @pl.loop(0, 128 // _L)
            def _(j):
                sl = pl.ds(_EPT + j * _L, _L)
                r = ec_v[0, sl]
                cc = ec_v[1, sl]
                sv = plsc.load_gather(s_tab, [r])
                cv = plsc.load_gather(c_tab, [cc])
                dv = plsc.bitcast(cv & mhi, jnp.float32)
                plsc.addupdate_scatter(bins, [(cv & mlo) + lane], sv * dv)

    sb = pl.multiple_of(wid * _SL, _SL)

    with jax.named_scope("ph_self"):
        @pl.loop(0, _SL // _L, unroll=4)
        def _(k):
            sl = pl.ds(sb + k * _L, _L)
            cv = c_tab[sl]
            val = s_tab[sl] * plsc.bitcast(cv & mhi, jnp.float32)
            plsc.addupdate_scatter(bins, [(cv & mlo) + lane], val)

        pltpu.sync_copy(
            bins,
            out_hbm.at[pl.ds(pl.multiple_of(wid * _G * _L, _G * _L), _G * _L)])


def _main_call(edge_index, h_pad, batch_pad):
    kern = pl.kernel(
        _main_body,
        out_type=(
            jax.ShapeDtypeStruct((_NW * _G * _L,), jnp.float32),
            jax.ShapeDtypeStruct((_NW * _NPAD,), jnp.int32),
            jax.ShapeDtypeStruct((_NPAD,), jnp.float32),
            jax.ShapeDtypeStruct((_NPAD,), jnp.int32),
        ),
        mesh=_mesh,
        scratch_types=[
            pltpu.VMEM((2, _EPT + 128), jnp.int32),
            pltpu.VMEM((2, _EPS + 128), jnp.int32),
            pltpu.VMEM((_NPAD,), jnp.int32),
            pltpu.VMEM((_NS, _PT), jnp.int32),
            pltpu.VMEM((_PT,), jnp.float32),
            pltpu.VMEM((_PT,), jnp.int32),
            pltpu.VMEM((_PT,), jnp.float32),
            pltpu.VMEM((_PT,), jnp.int32),
            pltpu.VMEM((_NPAD,), jnp.float32),
            pltpu.VMEM((_NPAD,), jnp.int32),
            pltpu.VMEM((_G * _L,), jnp.float32),
            pltpu.SemaphoreType.DMA,
            pltpu.SemaphoreType.DMA,
            pltpu.SemaphoreType.DMA,
        ],
        compiler_params=_sc_params,
    )
    bins, _, _, _ = kern(edge_index, h_pad, batch_pad)
    return bins



def _final_body(b_ref, wp_ref, bp_ref, o_ref):
    t = jnp.sum(b_ref[...], axis=(0, 2))[:, None]
    o_ref[...] = t * wp_ref[...] + bp_ref[...][None, :]


def _final_call(bins3d, Wp, bp):
    return pl.pallas_call(
        _final_body,
        out_shape=jax.ShapeDtypeStruct((_G, 1), jnp.float32),
    )(bins3d, Wp, bp)


def kernel(x, edge_index, batch, W1, Wp, bp):
    h_pad, batch_pad = _h_matvec(x, W1, batch)
    bins = _main_call(edge_index, h_pad, batch_pad)
    return _final_call(bins.reshape(_NW, _G, _L), Wp, bp)

# --- scband reference (transcript-rebuilt; emitter-appended) ---
"""Pipeline reference for scband-gcn-bare-7687991460116 (READ-ONLY COPY).

The authoritative reference and input builder live on the scoring server;
editing this copy changes nothing except your own understanding.
"""

import jax, jax.numpy as jnp
import numpy as np

N = 10000
E = 320000
D = 128
G = 64


def setup_inputs(seed: int = 0) -> dict:
    key = jax.random.key(seed)
    k1, k2, k3, k4, k5 = jax.random.split(key, 5)
    x = jax.random.normal(k1, (N, D), dtype=jnp.float32)
    edge_index = jax.random.randint(k2, (2, E), 0, N, dtype=jnp.int32)
    batch = jnp.sort(jax.random.randint(k3, (N,), 0, G, dtype=jnp.int32))
    # GCNConv lin weight [out=1, in=D], xavier_uniform, no bias
    lim1 = float(np.sqrt(6.0 / (D + 1)))
    W1 = jax.random.uniform(k4, (1, D), dtype=jnp.float32, minval=-lim1, maxval=lim1)
    # post_pool Linear(1,1) with bias, xavier_uniform weight
    lim2 = float(np.sqrt(6.0 / (1 + 1)))
    Wp = jax.random.uniform(k5, (1, 1), dtype=jnp.float32, minval=-lim2, maxval=lim2)
    bp = jnp.zeros((1,), dtype=jnp.float32)
    return {"x": x, "edge_index": edge_index, "batch": batch, "W1": W1, "Wp": Wp, "bp": bp}


def reference(x, edge_index, batch, W1, Wp, bp):
    n = x.shape[0]
    # linear transform (GCNConv.lin, bias=False)
    h = x @ W1.T  # [N, 1]
    # add self loops
    loop = jnp.arange(n, dtype=edge_index.dtype)
    ei = jnp.concatenate([edge_index, jnp.stack([loop, loop])], axis=1)
    row, col = ei[0], ei[1]  # src, dst
    # symmetric normalization
    deg = jax.ops.segment_sum(jnp.ones(row.shape[0], dtype=jnp.float32), col, num_segments=n)
    dinv = jnp.where(deg > 0, jax.lax.rsqrt(jnp.maximum(deg, 1e-12)), 0.0)
    norm = dinv[row] * dinv[col]
    # message passing: gather from src, scale, scatter-add at dst
    msgs = norm[:, None] * h[row]
    out = jax.ops.segment_sum(msgs, col, num_segments=n)  # [N, 1]
    # global_add_pool over batch assignment
    pooled = jax.ops.segment_sum(out, batch, num_segments=G)  # [G, 1]
    # post_pool linear
    return pooled @ Wp.T + bp

if __name__ == "__main__":
    import jax
    _d = setup_inputs()
    print(jax.jit(kernel)(*tuple(_d.values())))

</pallas_src>

<mosaic_0001>
#map = affine_map<(d0, d1) -> (0, 0)>
#map1 = affine_map<(d0, d1) -> (0)>
module attributes {stable_mosaic.version = 14 : i64} {
  func.func @_main_body(%arg0: i32, %arg1: i32, %arg2: memref<2x320000xi32, #tpu.memory_space<hbm>>, %arg3: memref<10240xf32, #tpu.memory_space<hbm>>, %arg4: memref<10240xi32, #tpu.memory_space<hbm>>, %arg5: memref<32768xf32, #tpu.memory_space<hbm>>, %arg6: memref<327680xi32, #tpu.memory_space<hbm>>, %arg7: memref<10240xf32, #tpu.memory_space<hbm>>, %arg8: memref<10240xi32, #tpu.memory_space<hbm>>, %arg9: memref<2x10112xi32, #tpu.memory_space<vmem>>, %arg10: memref<2x20096xi32, #tpu.memory_space<vmem>>, %arg11: memref<10240xi32, #tpu.memory_space<vmem>>, %arg12: memref<16x640xi32, #tpu.memory_space<vmem>>, %arg13: memref<640xf32, #tpu.memory_space<vmem>>, %arg14: memref<640xi32, #tpu.memory_space<vmem>>, %arg15: memref<640xf32, #tpu.memory_space<vmem>>, %arg16: memref<640xi32, #tpu.memory_space<vmem>>, %arg17: memref<10240xf32, #tpu.memory_space<vmem>>, %arg18: memref<10240xi32, #tpu.memory_space<vmem>>, %arg19: memref<1024xf32, #tpu.memory_space<vmem>>, %arg20: memref<!tpu.dma_semaphore, #tpu.memory_space<semaphore_mem>>, %arg21: memref<!tpu.dma_semaphore, #tpu.memory_space<semaphore_mem>>, %arg22: memref<!tpu.dma_semaphore, #tpu.memory_space<semaphore_mem>>) attributes {dimension_semantics = [#tpu.dimension_semantics<core_parallel>, #tpu.dimension_semantics<subcore_parallel>], iteration_bounds = array<i64: 2, 16>, scalar_prefetch = 0 : i64, scratch_operands = 14 : i64, tpu.core_type = #tpu.core_type<sc_vector_subcore>, window_params = [{transform_indices = #map}, {transform_indices = #map1}, {transform_indices = #map1}, {transform_indices = #map1}, {transform_indices = #map1}, {transform_indices = #map1}, {transform_indices = #map1}]} {
    %mul3A = arith.constant 16 : i32
    %mul3A_0 = arith.muli %arg0, %mul3A : i32
    %add3A = arith.addi %mul3A_0, %arg1 : i32
    %mul3A_1 = arith.constant 78 : i32
    %mul3A_2 = arith.muli %mul3A_1, %add3A : i32
    %min3A = arith.constant 4 : i32
    %min3A_3 = arith.minsi %add3A, %min3A : i32
    %add3A_4 = arith.addi %mul3A_2, %min3A_3 : i32
    %mul3A_5 = arith.constant 128 : i32
    %mul3A_6 = arith.muli %add3A_4, %mul3A_5 : i32
    %multiple_of3A = tpu.assume_multiple %mul3A_6, 128 : i32
    %dma_start3A = arith.constant 0 : i32
    %dma_start3A_7 = arith.constant 0 : i32
    %dma_start3A_8 = tpu.memref_slice %arg9[%dma_start3A, %dma_start3A_7] : memref<2x10112xi32, #tpu.memory_space<vmem>> -> memref<2x9984xi32, #tpu.memory_space<vmem>>
    %dma_start3A_9 = arith.constant 0 : i32
    %dma_start3A_10 = tpu.memref_slice %arg2[%dma_start3A_9, %multiple_of3A] : memref<2x320000xi32, #tpu.memory_space<hbm>> -> memref<2x9984xi32, #tpu.memory_space<hbm>>
    %dma_start3A_11 = arith.constant 0 : i32
    %dma_start3A_12 = arith.constant 0 : i32
    %dma_start3A_13 = tpu.memref_slice %arg9[%dma_start3A_11, %dma_start3A_12] : memref<2x10112xi32, #tpu.memory_space<vmem>> -> memref<2x9984xi32, #tpu.memory_space<vmem>>
    %dma_start3A_14 = arith.constant 0 : i32
    %dma_start3A_15 = tpu.memref_slice %arg2[%dma_start3A_14, %multiple_of3A] : memref<2x320000xi32, #tpu.memory_space<hbm>> -> memref<2x9984xi32, #tpu.memory_space<hbm>>
    tpu.enqueue_dma source(%dma_start3A_15 : memref<2x9984xi32, #tpu.memory_space<hbm>>) target(%dma_start3A_13 : memref<2x9984xi32, #tpu.memory_space<vmem>>) target_semaphore(%arg20 : memref<!tpu.dma_semaphore, #tpu.memory_space<semaphore_mem>>)
    %lt3A = arith.constant 4 : i32
    %lt3A_16 = arith.cmpi slt, %add3A, %lt3A : i32
    %jit3A = arith.constant 9984 : i32
    %jit3A_17 = arith.constant 0 : i32
    %select_n3A = arith.select %lt3A_16, %jit3A, %jit3A_17 : i32
    %add3A_18 = arith.addi %multiple_of3A, %select_n3A : i32
    %multiple_of3A_19 = tpu.assume_multiple %add3A_18, 128 : i32
    %dma_start3A_20 = arith.constant 0 : i32
    %dma_start3A_21 = arith.constant 9984 : i32
    %dma_start3A_22 = tpu.memref_slice %arg9[%dma_start3A_20, %dma_start3A_21] : memref<2x10112xi32, #tpu.memory_space<vmem>> -> memref<2x128xi32, #tpu.memory_space<vmem>>
    %dma_start3A_23 = arith.constant 0 : i32
    %dma_start3A_24 = tpu.memref_slice %arg2[%dma_start3A_23, %multiple_of3A_19] : memref<2x320000xi32, #tpu.memory_space<hbm>> -> memref<2x128xi32, #tpu.memory_space<hbm>>
    %dma_start3A_25 = arith.constant 0 : i32
    %dma_start3A_26 = arith.constant 9984 : i32
    %dma_start3A_27 = tpu.memref_slice %arg9[%dma_start3A_25, %dma_start3A_26] : memref<2x10112xi32, #tpu.memory_space<vmem>> -> memref<2x128xi32, #tpu.memory_space<vmem>>
    %dma_start3A_28 = arith.constant 0 : i32
    %dma_start3A_29 = tpu.memref_slice %arg2[%dma_start3A_28, %multiple_of3A_19] : memref<2x320000xi32, #tpu.memory_space<hbm>> -> memref<2x128xi32, #tpu.memory_space<hbm>>
    tpu.enqueue_dma source(%dma_start3A_29 : memref<2x128xi32, #tpu.memory_space<hbm>>) target(%dma_start3A_27 : memref<2x128xi32, #tpu.memory_space<vmem>>) target_semaphore(%arg20 : memref<!tpu.dma_semaphore, #tpu.memory_space<semaphore_mem>>)
    %mul3A_30 = arith.constant 156 : i32
    %mul3A_31 = arith.muli %mul3A_30, %arg1 : i32
    %min3A_32 = arith.constant 4 : i32
    %min3A_33 = arith.minsi %arg1, %min3A_32 : i32
    %add3A_34 = arith.addi %mul3A_31, %min3A_33 : i32
    %mul3A_35 = arith.constant 128 : i32
    %mul3A_36 = arith.muli %add3A_34, %mul3A_35 : i32
    %multiple_of3A_37 = tpu.assume_multiple %mul3A_36, 128 : i32
    %dma_start3A_38 = arith.constant 0 : i32
    %dma_start3A_39 = arith.constant 0 : i32
    %dma_start3A_40 = tpu.memref_slice %arg10[%dma_start3A_38, %dma_start3A_39] : memref<2x20096xi32, #tpu.memory_space<vmem>> -> memref<2x19968xi32, #tpu.memory_space<vmem>>
    %dma_start3A_41 = arith.constant 0 : i32
    %dma_start3A_42 = tpu.memref_slice %arg2[%dma_start3A_41, %multiple_of3A_37] : memref<2x320000xi32, #tpu.memory_space<hbm>> -> memref<2x19968xi32, #tpu.memory_space<hbm>>
    %dma_start3A_43 = arith.constant 0 : i32
    %dma_start3A_44 = arith.constant 0 : i32
    %dma_start3A_45 = tpu.memref_slice %arg10[%dma_start3A_43, %dma_start3A_44] : memref<2x20096xi32, #tpu.memory_space<vmem>> -> memref<2x19968xi32, #tpu.memory_space<vmem>>
    %dma_start3A_46 = arith.constant 0 : i32
    %dma_start3A_47 = tpu.memref_slice %arg2[%dma_start3A_46, %multiple_of3A_37] : memref<2x320000xi32, #tpu.memory_space<hbm>> -> memref<2x19968xi32, #tpu.memory_space<hbm>>
    tpu.enqueue_dma source(%dma_start3A_47 : memref<2x19968xi32, #tpu.memory_space<hbm>>) target(%dma_start3A_45 : memref<2x19968xi32, #tpu.memory_space<vmem>>) target_semaphore(%arg22 : memref<!tpu.dma_semaphore, #tpu.memory_space<semaphore_mem>>)
    %lt3A_48 = arith.constant 4 : i32
    %lt3A_49 = arith.cmpi slt, %arg1, %lt3A_48 : i32
    %jit3A_50 = arith.constant 19968 : i32
    %jit3A_51 = arith.constant 0 : i32
    %select_n3A_52 = arith.select %lt3A_49, %jit3A_50, %jit3A_51 : i32
    %add3A_53 = arith.addi %multiple_of3A_37, %select_n3A_52 : i32
    %multiple_of3A_54 = tpu.assume_multiple %add3A_53, 128 : i32
    %dma_start3A_55 = arith.constant 0 : i32
    %dma_start3A_56 = arith.constant 19968 : i32
    %dma_start3A_57 = tpu.memref_slice %arg10[%dma_start3A_55, %dma_start3A_56] : memref<2x20096xi32, #tpu.memory_space<vmem>> -> memref<2x128xi32, #tpu.memory_space<vmem>>
    %dma_start3A_58 = arith.constant 0 : i32
    %dma_start3A_59 = tpu.memref_slice %arg2[%dma_start3A_58, %multiple_of3A_54] : memref<2x320000xi32, #tpu.memory_space<hbm>> -> memref<2x128xi32, #tpu.memory_space<hbm>>
    %dma_start3A_60 = arith.constant 0 : i32
    %dma_start3A_61 = arith.constant 19968 : i32
    %dma_start3A_62 = tpu.memref_slice %arg10[%dma_start3A_60, %dma_start3A_61] : memref<2x20096xi32, #tpu.memory_space<vmem>> -> memref<2x128xi32, #tpu.memory_space<vmem>>
    %dma_start3A_63 = arith.constant 0 : i32
    %dma_start3A_64 = tpu.memref_slice %arg2[%dma_start3A_63, %multiple_of3A_54] : memref<2x320000xi32, #tpu.memory_space<hbm>> -> memref<2x128xi32, #tpu.memory_space<hbm>>
    tpu.enqueue_dma source(%dma_start3A_64 : memref<2x128xi32, #tpu.memory_space<hbm>>) target(%dma_start3A_62 : memref<2x128xi32, #tpu.memory_space<vmem>>) target_semaphore(%arg22 : memref<!tpu.dma_semaphore, #tpu.memory_space<semaphore_mem>>)
    %mul3A_65 = arith.constant 640 : i32
    %mul3A_66 = arith.muli %arg1, %mul3A_65 : i32
    %multiple_of3A_67 = tpu.assume_multiple %mul3A_66, 640 : i32
    "tpu.trace_start"() <{level = 10 : i32, message = "ph_stage"}> : () -> ()
    "tpu.region"() ({
      %run_scoped3A = tpu.sem_alloc : memref<!tpu.dma_semaphore, #tpu.memory_space<semaphore_mem>>
      %dma_start3A_583 = tpu.memref_slice %arg3[%multiple_of3A_67] : memref<10240xf32, #tpu.memory_space<hbm>> -> memref<640xf32, #tpu.memory_space<hbm>>
      %dma_start3A_584 = tpu.memref_slice %arg3[%multiple_of3A_67] : memref<10240xf32, #tpu.memory_space<hbm>> -> memref<640xf32, #tpu.memory_space<hbm>>
      tpu.enqueue_dma source(%dma_start3A_584 : memref<640xf32, #tpu.memory_space<hbm>>) target(%arg13 : memref<640xf32, #tpu.memory_space<vmem>>) target_semaphore(%run_scoped3A : memref<!tpu.dma_semaphore, #tpu.memory_space<semaphore_mem>>)
      %dma_wait3A_585 = tpu.memref_slice %arg3[%multiple_of3A_67] : memref<10240xf32, #tpu.memory_space<hbm>> -> memref<640xf32, #tpu.memory_space<hbm>>
      %dma_wait3A_586 = tpu.memref_slice %arg3[%multiple_of3A_67] : memref<10240xf32, #tpu.memory_space<hbm>> -> memref<640xf32, #tpu.memory_space<hbm>>
      tpu.wait_dma2 semaphore(%run_scoped3A : memref<!tpu.dma_semaphore, #tpu.memory_space<semaphore_mem>>) src(%dma_wait3A_586 : memref<640xf32, #tpu.memory_space<hbm>>) dst(%arg13 : memref<640xf32, #tpu.memory_space<vmem>>)
      tpu.yield
    }) : () -> ()
    "tpu.region"() ({
      %run_scoped3A = tpu.sem_alloc : memref<!tpu.dma_semaphore, #tpu.memory_space<semaphore_mem>>
      %dma_start3A_583 = tpu.memref_slice %arg4[%multiple_of3A_67] : memref<10240xi32, #tpu.memory_space<hbm>> -> memref<640xi32, #tpu.memory_space<hbm>>
      %dma_start3A_584 = tpu.memref_slice %arg4[%multiple_of3A_67] : memref<10240xi32, #tpu.memory_space<hbm>> -> memref<640xi32, #tpu.memory_space<hbm>>
      tpu.enqueue_dma source(%dma_start3A_584 : memref<640xi32, #tpu.memory_space<hbm>>) target(%arg14 : memref<640xi32, #tpu.memory_space<vmem>>) target_semaphore(%run_scoped3A : memref<!tpu.dma_semaphore, #tpu.memory_space<semaphore_mem>>)
      %dma_wait3A_585 = tpu.memref_slice %arg4[%multiple_of3A_67] : memref<10240xi32, #tpu.memory_space<hbm>> -> memref<640xi32, #tpu.memory_space<hbm>>
      %dma_wait3A_586 = tpu.memref_slice %arg4[%multiple_of3A_67] : memref<10240xi32, #tpu.memory_space<hbm>> -> memref<640xi32, #tpu.memory_space<hbm>>
      tpu.wait_dma2 semaphore(%run_scoped3A : memref<!tpu.dma_semaphore, #tpu.memory_space<semaphore_mem>>) src(%dma_wait3A_586 : memref<640xi32, #tpu.memory_space<hbm>>) dst(%arg14 : memref<640xi32, #tpu.memory_space<vmem>>)
      tpu.yield
    }) : () -> ()
    %broadcast_in_dim3A = arith.constant 0 : i32
    %broadcast_in_dim3A_68 = vector.broadcast %broadcast_in_dim3A : i32 to vector<16xi32>
    %scan3A = arith.constant 0 : i32
    %scan3A_69 = arith.constant 640 : i32
    %scan3A_70 = arith.addi %scan3A, %scan3A_69 : i32
    %scan3A_71 = arith.constant 8 : i32
    scf.for %scan3A_583 = %scan3A to %scan3A_70 step %scan3A_71  : i32 {
      %mul3A_584 = arith.constant 1 : i32
      %mul3A_585 = arith.muli %scan3A_583, %mul3A_584 : i32
      %add3A_586 = arith.constant 0 : i32
      %add3A_587 = arith.addi %add3A_586, %mul3A_585 : i32
      %mul3A_588 = arith.constant 16 : i32
      %mul3A_589 = arith.muli %add3A_587, %mul3A_588 : i32
      %swap3A = arith.index_cast %mul3A_589 : i32 to index
      %swap3A_590 = tpu.vector_load %arg11[%swap3A] {strides = array<i32>} : memref<10240xi32, #tpu.memory_space<vmem>>, vector<16xi32>,
      tpu.vector_store %arg11[%swap3A], %broadcast_in_dim3A_68 {strides = array<i32>} : memref<10240xi32, #tpu.memory_space<vmem>>, vector<16xi32>,
      %scan3A_591 = arith.constant 1 : i32
      %scan3A_592 = arith.addi %scan3A_583, %scan3A_591 : i32
      %mul3A_593 = arith.constant 1 : i32
      %mul3A_594 = arith.muli %scan3A_592, %mul3A_593 : i32
      %add3A_595 = arith.constant 0 : i32
      %add3A_596 = arith.addi %add3A_595, %mul3A_594 : i32
      %mul3A_597 = arith.constant 16 : i32
      %mul3A_598 = arith.muli %add3A_596, %mul3A_597 : i32
      %swap3A_599 = arith.index_cast %mul3A_598 : i32 to index
      %swap3A_600 = tpu.vector_load %arg11[%swap3A_599] {strides = array<i32>} : memref<10240xi32, #tpu.memory_space<vmem>>, vector<16xi32>,
      tpu.vector_store %arg11[%swap3A_599], %broadcast_in_dim3A_68 {strides = array<i32>} : memref<10240xi32, #tpu.memory_space<vmem>>, vector<16xi32>,
      %scan3A_601 = arith.constant 2 : i32
      %scan3A_602 = arith.addi %scan3A_583, %scan3A_601 : i32
      %mul3A_603 = arith.constant 1 : i32
      %mul3A_604 = arith.muli %scan3A_602, %mul3A_603 : i32
      %add3A_605 = arith.constant 0 : i32
      %add3A_606 = arith.addi %add3A_605, %mul3A_604 : i32
      %mul3A_607 = arith.constant 16 : i32
      %mul3A_608 = arith.muli %add3A_606, %mul3A_607 : i32
      %swap3A_609 = arith.index_cast %mul3A_608 : i32 to index
      %swap3A_610 = tpu.vector_load %arg11[%swap3A_609] {strides = array<i32>} : memref<10240xi32, #tpu.memory_space<vmem>>, vector<16xi32>,
      tpu.vector_store %arg11[%swap3A_609], %broadcast_in_dim3A_68 {strides = array<i32>} : memref<10240xi32, #tpu.memory_space<vmem>>, vector<16xi32>,
      %scan3A_611 = arith.constant 3 : i32
      %scan3A_612 = arith.addi %scan3A_583, %scan3A_611 : i32
      %mul3A_613 = arith.constant 1 : i32
      %mul3A_614 = arith.muli %scan3A_612, %mul3A_613 : i32
      %add3A_615 = arith.constant 0 : i32
      %add3A_616 = arith.addi %add3A_615, %mul3A_614 : i32
      %mul3A_617 = arith.constant 16 : i32
      %mul3A_618 = arith.muli %add3A_616, %mul3A_617 : i32
      %swap3A_619 = arith.index_cast %mul3A_618 : i32 to index
      %swap3A_620 = tpu.vector_load %arg11[%swap3A_619] {strides = array<i32>} : memref<10240xi32, #tpu.memory_space<vmem>>, vector<16xi32>,
      tpu.vector_store %arg11[%swap3A_619], %broadcast_in_dim3A_68 {strides = array<i32>} : memref<10240xi32, #tpu.memory_space<vmem>>, vector<16xi32>,
      %scan3A_621 = arith.constant 4 : i32
      %scan3A_622 = arith.addi %scan3A_583, %scan3A_621 : i32
      %mul3A_623 = arith.constant 1 : i32
      %mul3A_624 = arith.muli %scan3A_622, %mul3A_623 : i32
      %add3A_625 = arith.constant 0 : i32
      %add3A_626 = arith.addi %add3A_625, %mul3A_624 : i32
      %mul3A_627 = arith.constant 16 : i32
      %mul3A_628 = arith.muli %add3A_626, %mul3A_627 : i32
      %swap3A_629 = arith.index_cast %mul3A_628 : i32 to index
      %swap3A_630 = tpu.vector_load %arg11[%swap3A_629] {strides = array<i32>} : memref<10240xi32, #tpu.memory_space<vmem>>, vector<16xi32>,
      tpu.vector_store %arg11[%swap3A_629], %broadcast_in_dim3A_68 {strides = array<i32>} : memref<10240xi32, #tpu.memory_space<vmem>>, vector<16xi32>,
      %scan3A_631 = arith.constant 5 : i32
      %scan3A_632 = arith.addi %scan3A_583, %scan3A_631 : i32
      %mul3A_633 = arith.constant 1 : i32
      %mul3A_634 = arith.muli %scan3A_632, %mul3A_633 : i32
      %add3A_635 = arith.constant 0 : i32
      %add3A_636 = arith.addi %add3A_635, %mul3A_634 : i32
      %mul3A_637 = arith.constant 16 : i32
      %mul3A_638 = arith.muli %add3A_636, %mul3A_637 : i32
      %swap3A_639 = arith.index_cast %mul3A_638 : i32 to index
      %swap3A_640 = tpu.vector_load %arg11[%swap3A_639] {strides = array<i32>} : memref<10240xi32, #tpu.memory_space<vmem>>, vector<16xi32>,
      tpu.vector_store %arg11[%swap3A_639], %broadcast_in_dim3A_68 {strides = array<i32>} : memref<10240xi32, #tpu.memory_space<vmem>>, vector<16xi32>,
      %scan3A_641 = arith.constant 6 : i32
      %scan3A_642 = arith.addi %scan3A_583, %scan3A_641 : i32
      %mul3A_643 = arith.constant 1 : i32
      %mul3A_644 = arith.muli %scan3A_642, %mul3A_643 : i32
      %add3A_645 = arith.constant 0 : i32
      %add3A_646 = arith.addi %add3A_645, %mul3A_644 : i32
      %mul3A_647 = arith.constant 16 : i32
      %mul3A_648 = arith.muli %add3A_646, %mul3A_647 : i32
      %swap3A_649 = arith.index_cast %mul3A_648 : i32 to index
      %swap3A_650 = tpu.vector_load %arg11[%swap3A_649] {strides = array<i32>} : memref<10240xi32, #tpu.memory_space<vmem>>, vector<16xi32>,
      tpu.vector_store %arg11[%swap3A_649], %broadcast_in_dim3A_68 {strides = array<i32>} : memref<10240xi32, #tpu.memory_space<vmem>>, vector<16xi32>,
      %scan3A_651 = arith.constant 7 : i32
      %scan3A_652 = arith.addi %scan3A_583, %scan3A_651 : i32
      %mul3A_653 = arith.constant 1 : i32
      %mul3A_654 = arith.muli %scan3A_652, %mul3A_653 : i32
      %add3A_655 = arith.constant 0 : i32
      %add3A_656 = arith.addi %add3A_655, %mul3A_654 : i32
      %mul3A_657 = arith.constant 16 : i32
      %mul3A_658 = arith.muli %add3A_656, %mul3A_657 : i32
      %swap3A_659 = arith.index_cast %mul3A_658 : i32 to index
      %swap3A_660 = tpu.vector_load %arg11[%swap3A_659] {strides = array<i32>} : memref<10240xi32, #tpu.memory_space<vmem>>, vector<16xi32>,
      tpu.vector_store %arg11[%swap3A_659], %broadcast_in_dim3A_68 {strides = array<i32>} : memref<10240xi32, #tpu.memory_space<vmem>>, vector<16xi32>,
    }
    %scan3A_72 = arith.constant 640 : i32
    %dma_wait3A = arith.constant 0 : i32
    %dma_wait3A_73 = arith.constant 0 : i32
    %dma_wait3A_74 = tpu.memref_slice %arg10[%dma_wait3A, %dma_wait3A_73] : memref<2x20096xi32, #tpu.memory_space<vmem>> -> memref<2x19968xi32, #tpu.memory_space<vmem>>
    %dma_wait3A_75 = arith.constant 0 : i32
    %dma_wait3A_76 = tpu.memref_slice %arg2[%dma_wait3A_75, %multiple_of3A_37] : memref<2x320000xi32, #tpu.memory_space<hbm>> -> memref<2x19968xi32, #tpu.memory_space<hbm>>
    %dma_wait3A_77 = arith.constant 0 : i32
    %dma_wait3A_78 = arith.constant 0 : i32
    %dma_wait3A_79 = tpu.memref_slice %arg10[%dma_wait3A_77, %dma_wait3A_78] : memref<2x20096xi32, #tpu.memory_space<vmem>> -> memref<2x19968xi32, #tpu.memory_space<vmem>>
    %dma_wait3A_80 = arith.constant 0 : i32
    %dma_wait3A_81 = tpu.memref_slice %arg2[%dma_wait3A_80, %multiple_of3A_37] : memref<2x320000xi32, #tpu.memory_space<hbm>> -> memref<2x19968xi32, #tpu.memory_space<hbm>>
    tpu.wait_dma2 semaphore(%arg22 : memref<!tpu.dma_semaphore, #tpu.memory_space<semaphore_mem>>) src(%dma_wait3A_81 : memref<2x19968xi32, #tpu.memory_space<hbm>>) dst(%dma_wait3A_79 : memref<2x19968xi32, #tpu.memory_space<vmem>>)
    %dma_wait3A_82 = arith.constant 0 : i32
    %dma_wait3A_83 = arith.constant 19968 : i32
    %dma_wait3A_84 = tpu.memref_slice %arg10[%dma_wait3A_82, %dma_wait3A_83] : memref<2x20096xi32, #tpu.memory_space<vmem>> -> memref<2x128xi32, #tpu.memory_space<vmem>>
    %dma_wait3A_85 = arith.constant 0 : i32
    %dma_wait3A_86 = tpu.memref_slice %arg2[%dma_wait3A_85, %multiple_of3A_54] : memref<2x320000xi32, #tpu.memory_space<hbm>> -> memref<2x128xi32, #tpu.memory_space<hbm>>
    %dma_wait3A_87 = arith.constant 0 : i32
    %dma_wait3A_88 = arith.constant 19968 : i32
    %dma_wait3A_89 = tpu.memref_slice %arg10[%dma_wait3A_87, %dma_wait3A_88] : memref<2x20096xi32, #tpu.memory_space<vmem>> -> memref<2x128xi32, #tpu.memory_space<vmem>>
    %dma_wait3A_90 = arith.constant 0 : i32
    %dma_wait3A_91 = tpu.memref_slice %arg2[%dma_wait3A_90, %multiple_of3A_54] : memref<2x320000xi32, #tpu.memory_space<hbm>> -> memref<2x128xi32, #tpu.memory_space<hbm>>
    tpu.wait_dma2 semaphore(%arg22 : memref<!tpu.dma_semaphore, #tpu.memory_space<semaphore_mem>>) src(%dma_wait3A_91 : memref<2x128xi32, #tpu.memory_space<hbm>>) dst(%dma_wait3A_89 : memref<2x128xi32, #tpu.memory_space<vmem>>)
    %broadcast_in_dim3A_92 = arith.constant 1 : i32
    "tpu.trace_stop"() : () -> ()
    %broadcast_in_dim3A_93 = vector.broadcast %broadcast_in_dim3A_92 : i32 to vector<16xi32>
    "tpu.trace_start"() <{level = 10 : i32, message = "ph_hist"}> : () -> ()
    %scan3A_94 = arith.constant 0 : i32
    %scan3A_95 = arith.constant 1248 : i32
    %scan3A_96 = arith.addi %scan3A_94, %scan3A_95 : i32
    %scan3A_97 = arith.constant 8 : i32
    scf.for %scan3A_583 = %scan3A_94 to %scan3A_96 step %scan3A_97  : i32 {
      %mul3A_584 = arith.constant 1 : i32
      %mul3A_585 = arith.muli %scan3A_583, %mul3A_584 : i32
      %add3A_586 = arith.constant 0 : i32
      %add3A_587 = arith.addi %add3A_586, %mul3A_585 : i32
      %mul3A_588 = arith.constant 16 : i32
      %mul3A_589 = arith.muli %add3A_587, %mul3A_588 : i32
      %get3A = arith.constant 1 : i32
      %get3A_590 = arith.index_cast %get3A : i32 to index
      %get3A_591 = arith.index_cast %mul3A_589 : i32 to index
      %get3A_592 = tpu.vector_load %arg10[%get3A_590, %get3A_591] {strides = array<i32>} : memref<2x20096xi32, #tpu.memory_space<vmem>>, vector<16xi32>,
      tpu.vector_store_idx %arg11[%get3A_592], %broadcast_in_dim3A_93 {add = true} : memref<10240xi32, #tpu.memory_space<vmem>>[vector<16xi32>], vector<16xi32>,
      %scan3A_593 = arith.constant 1 : i32
      %scan3A_594 = arith.addi %scan3A_583, %scan3A_593 : i32
      %mul3A_595 = arith.constant 1 : i32
      %mul3A_596 = arith.muli %scan3A_594, %mul3A_595 : i32
      %add3A_597 = arith.constant 0 : i32
      %add3A_598 = arith.addi %add3A_597, %mul3A_596 : i32
      %mul3A_599 = arith.constant 16 : i32
      %mul3A_600 = arith.muli %add3A_598, %mul3A_599 : i32
      %get3A_601 = arith.constant 1 : i32
      %get3A_602 = arith.index_cast %get3A_601 : i32 to index
      %get3A_603 = arith.index_cast %mul3A_600 : i32 to index
      %get3A_604 = tpu.vector_load %arg10[%get3A_602, %get3A_603] {strides = array<i32>} : memref<2x20096xi32, #tpu.memory_space<vmem>>, vector<16xi32>,
      tpu.vector_store_idx %arg11[%get3A_604], %broadcast_in_dim3A_93 {add = true} : memref<10240xi32, #tpu.memory_space<vmem>>[vector<16xi32>], vector<16xi32>,
      %scan3A_605 = arith.constant 2 : i32
      %scan3A_606 = arith.addi %scan3A_583, %scan3A_605 : i32
      %mul3A_607 = arith.constant 1 : i32
      %mul3A_608 = arith.muli %scan3A_606, %mul3A_607 : i32
      %add3A_609 = arith.constant 0 : i32
      %add3A_610 = arith.addi %add3A_609, %mul3A_608 : i32
      %mul3A_611 = arith.constant 16 : i32
      %mul3A_612 = arith.muli %add3A_610, %mul3A_611 : i32
      %get3A_613 = arith.constant 1 : i32
      %get3A_614 = arith.index_cast %get3A_613 : i32 to index
      %get3A_615 = arith.index_cast %mul3A_612 : i32 to index
      %get3A_616 = tpu.vector_load %arg10[%get3A_614, %get3A_615] {strides = array<i32>} : memref<2x20096xi32, #tpu.memory_space<vmem>>, vector<16xi32>,
      tpu.vector_store_idx %arg11[%get3A_616], %broadcast_in_dim3A_93 {add = true} : memref<10240xi32, #tpu.memory_space<vmem>>[vector<16xi32>], vector<16xi32>,
      %scan3A_617 = arith.constant 3 : i32
      %scan3A_618 = arith.addi %scan3A_583, %scan3A_617 : i32
      %mul3A_619 = arith.constant 1 : i32
      %mul3A_620 = arith.muli %scan3A_618, %mul3A_619 : i32
      %add3A_621 = arith.constant 0 : i32
      %add3A_622 = arith.addi %add3A_621, %mul3A_620 : i32
      %mul3A_623 = arith.constant 16 : i32
      %mul3A_624 = arith.muli %add3A_622, %mul3A_623 : i32
      %get3A_625 = arith.constant 1 : i32
      %get3A_626 = arith.index_cast %get3A_625 : i32 to index
      %get3A_627 = arith.index_cast %mul3A_624 : i32 to index
      %get3A_628 = tpu.vector_load %arg10[%get3A_626, %get3A_627] {strides = array<i32>} : memref<2x20096xi32, #tpu.memory_space<vmem>>, vector<16xi32>,
      tpu.vector_store_idx %arg11[%get3A_628], %broadcast_in_dim3A_93 {add = true} : memref<10240xi32, #tpu.memory_space<vmem>>[vector<16xi32>], vector<16xi32>,
      %scan3A_629 = arith.constant 4 : i32
      %scan3A_630 = arith.addi %scan3A_583, %scan3A_629 : i32
      %mul3A_631 = arith.constant 1 : i32
      %mul3A_632 = arith.muli %scan3A_630, %mul3A_631 : i32
      %add3A_633 = arith.constant 0 : i32
      %add3A_634 = arith.addi %add3A_633, %mul3A_632 : i32
      %mul3A_635 = arith.constant 16 : i32
      %mul3A_636 = arith.muli %add3A_634, %mul3A_635 : i32
      %get3A_637 = arith.constant 1 : i32
      %get3A_638 = arith.index_cast %get3A_637 : i32 to index
      %get3A_639 = arith.index_cast %mul3A_636 : i32 to index
      %get3A_640 = tpu.vector_load %arg10[%get3A_638, %get3A_639] {strides = array<i32>} : memref<2x20096xi32, #tpu.memory_space<vmem>>, vector<16xi32>,
      tpu.vector_store_idx %arg11[%get3A_640], %broadcast_in_dim3A_93 {add = true} : memref<10240xi32, #tpu.memory_space<vmem>>[vector<16xi32>], vector<16xi32>,
      %scan3A_641 = arith.constant 5 : i32
      %scan3A_642 = arith.addi %scan3A_583, %scan3A_641 : i32
      %mul3A_643 = arith.constant 1 : i32
      %mul3A_644 = arith.muli %scan3A_642, %mul3A_643 : i32
      %add3A_645 = arith.constant 0 : i32
      %add3A_646 = arith.addi %add3A_645, %mul3A_644 : i32
      %mul3A_647 = arith.constant 16 : i32
      %mul3A_648 = arith.muli %add3A_646, %mul3A_647 : i32
      %get3A_649 = arith.constant 1 : i32
      %get3A_650 = arith.index_cast %get3A_649 : i32 to index
      %get3A_651 = arith.index_cast %mul3A_648 : i32 to index
      %get3A_652 = tpu.vector_load %arg10[%get3A_650, %get3A_651] {strides = array<i32>} : memref<2x20096xi32, #tpu.memory_space<vmem>>, vector<16xi32>,
      tpu.vector_store_idx %arg11[%get3A_652], %broadcast_in_dim3A_93 {add = true} : memref<10240xi32, #tpu.memory_space<vmem>>[vector<16xi32>], vector<16xi32>,
      %scan3A_653 = arith.constant 6 : i32
      %scan3A_654 = arith.addi %scan3A_583, %scan3A_653 : i32
      %mul3A_655 = arith.constant 1 : i32
      %mul3A_656 = arith.muli %scan3A_654, %mul3A_655 : i32
      %add3A_657 = arith.constant 0 : i32
      %add3A_658 = arith.addi %add3A_657, %mul3A_656 : i32
      %mul3A_659 = arith.constant 16 : i32
      %mul3A_660 = arith.muli %add3A_658, %mul3A_659 : i32
      %get3A_661 = arith.constant 1 : i32
      %get3A_662 = arith.index_cast %get3A_661 : i32 to index
      %get3A_663 = arith.index_cast %mul3A_660 : i32 to index
      %get3A_664 = tpu.vector_load %arg10[%get3A_662, %get3A_663] {strides = array<i32>} : memref<2x20096xi32, #tpu.memory_space<vmem>>, vector<16xi32>,
      tpu.vector_store_idx %arg11[%get3A_664], %broadcast_in_dim3A_93 {add = true} : memref<10240xi32, #tpu.memory_space<vmem>>[vector<16xi32>], vector<16xi32>,
      %scan3A_665 = arith.constant 7 : i32
      %scan3A_666 = arith.addi %scan3A_583, %scan3A_665 : i32
      %mul3A_667 = arith.constant 1 : i32
      %mul3A_668 = arith.muli %scan3A_666, %mul3A_667 : i32
      %add3A_669 = arith.constant 0 : i32
      %add3A_670 = arith.addi %add3A_669, %mul3A_668 : i32
      %mul3A_671 = arith.constant 16 : i32
      %mul3A_672 = arith.muli %add3A_670, %mul3A_671 : i32
      %get3A_673 = arith.constant 1 : i32
      %get3A_674 = arith.index_cast %get3A_673 : i32 to index
      %get3A_675 = arith.index_cast %mul3A_672 : i32 to index
      %get3A_676 = tpu.vector_load %arg10[%get3A_674, %get3A_675] {strides = array<i32>} : memref<2x20096xi32, #tpu.memory_space<vmem>>, vector<16xi32>,
      tpu.vector_store_idx %arg11[%get3A_676], %broadcast_in_dim3A_93 {add = true} : memref<10240xi32, #tpu.memory_space<vmem>>[vector<16xi32>], vector<16xi32>,
    }
    %scan3A_98 = arith.constant 1248 : i32
    %lt3A_99 = arith.constant 4 : i32
    %lt3A_100 = arith.cmpi slt, %arg1, %lt3A_99 : i32
    %convert_element_type3A = arith.extui %lt3A_100 : i1 to i32
    %cond3A = arith.constant 0 : i32
    %cond3A_101 = arith.cmpi ne, %convert_element_type3A, %cond3A : i32
    scf.if %cond3A_101 {
      %scan3A_583 = arith.constant 0 : i32
      %scan3A_584 = arith.constant 8 : i32
      %scan3A_585 = arith.addi %scan3A_583, %scan3A_584 : i32
      %scan3A_586 = arith.constant 1 : i32
      scf.for %scan3A_588 = %scan3A_583 to %scan3A_585 step %scan3A_586  : i32 {
        %mul3A_589 = arith.constant 1 : i32
        %mul3A_590 = arith.muli %scan3A_588, %mul3A_589 : i32
        %add3A_591 = arith.constant 0 : i32
        %add3A_592 = arith.addi %add3A_591, %mul3A_590 : i32
        %mul3A_593 = arith.constant 16 : i32
        %mul3A_594 = arith.muli %add3A_592, %mul3A_593 : i32
        %add3A_595 = arith.constant 19968 : i32
        %add3A_596 = arith.addi %add3A_595, %mul3A_594 : i32
        %get3A = arith.constant 1 : i32
        %get3A_597 = arith.index_cast %get3A : i32 to index
        %get3A_598 = arith.index_cast %add3A_596 : i32 to index
        %get3A_599 = tpu.vector_load %arg10[%get3A_597, %get3A_598] {strides = array<i32>} : memref<2x20096xi32, #tpu.memory_space<vmem>>, vector<16xi32>,
        tpu.vector_store_idx %arg11[%get3A_599], %broadcast_in_dim3A_93 {add = true} : memref<10240xi32, #tpu.memory_space<vmem>>[vector<16xi32>], vector<16xi32>,
      }
      %scan3A_587 = arith.constant 8 : i32
    } else {
    }
    "tpu.trace_stop"() : () -> ()
    "tpu.trace_start"() <{level = 10 : i32, message = "ph_hpub"}> : () -> ()
    %mul3A_102 = arith.constant 10240 : i32
    %mul3A_103 = arith.muli %add3A, %mul3A_102 : i32
    %multiple_of3A_104 = tpu.assume_multiple %mul3A_103, 10240 : i32
    "tpu.region"() ({
      %run_scoped3A = tpu.sem_alloc : memref<!tpu.dma_semaphore, #tpu.memory_space<semaphore_mem>>
      %dma_start3A_583 = tpu.memref_slice %arg6[%multiple_of3A_104] : memref<327680xi32, #tpu.memory_space<hbm>> -> memref<10240xi32, #tpu.memory_space<hbm>>
      %dma_start3A_584 = tpu.memref_slice %arg6[%multiple_of3A_104] : memref<327680xi32, #tpu.memory_space<hbm>> -> memref<10240xi32, #tpu.memory_space<hbm>>
      tpu.enqueue_dma source(%arg11 : memref<10240xi32, #tpu.memory_space<vmem>>) target(%dma_start3A_584 : memref<10240xi32, #tpu.memory_space<hbm>>) target_semaphore(%run_scoped3A : memref<!tpu.dma_semaphore, #tpu.memory_space<semaphore_mem>>)
      %dma_wait3A_585 = tpu.memref_slice %arg6[%multiple_of3A_104] : memref<327680xi32, #tpu.memory_space<hbm>> -> memref<10240xi32, #tpu.memory_space<hbm>>
      %dma_wait3A_586 = tpu.memref_slice %arg6[%multiple_of3A_104] : memref<327680xi32, #tpu.memory_space<hbm>> -> memref<10240xi32, #tpu.memory_space<hbm>>
      tpu.wait_dma2 semaphore(%run_scoped3A : memref<!tpu.dma_semaphore, #tpu.memory_space<semaphore_mem>>) src(%arg11 : memref<10240xi32, #tpu.memory_space<vmem>>) dst(%dma_wait3A_586 : memref<10240xi32, #tpu.memory_space<hbm>>)
      tpu.yield
    }) : () -> ()
    %barrier3A = arith.constant 0 : index
    tpu.barrier barrier_id(%barrier3A)
    %mul3A_105 = arith.constant 16 : i32
    %mul3A_106 = arith.muli %arg0, %mul3A_105 : i32
    %add3A_107 = arith.constant 0 : i32
    %add3A_108 = arith.addi %mul3A_106, %add3A_107 : i32
    %mul3A_109 = arith.constant 10240 : i32
    %mul3A_110 = arith.muli %add3A_108, %mul3A_109 : i32
    %multiple_of3A_111 = tpu.assume_multiple %mul3A_110, 10240 : i32
    %add3A_112 = arith.addi %multiple_of3A_111, %multiple_of3A_67 : i32
    %dma_start3A_113 = arith.constant 0 : i32
    %dma_start3A_114 = arith.constant 0 : i32
    %dma_start3A_115 = tpu.memref_slice %arg12[%dma_start3A_113, %dma_start3A_114] : memref<16x640xi32, #tpu.memory_space<vmem>> -> memref<1x640xi32, #tpu.memory_space<vmem>>
    %dma_start3A_116 = tpu.memref_squeeze %dma_start3A_115 : memref<1x640xi32, #tpu.memory_space<vmem>> -> memref<640xi32, #tpu.memory_space<vmem>>
    %dma_start3A_117 = tpu.memref_slice %arg6[%add3A_112] : memref<327680xi32, #tpu.memory_space<hbm>> -> memref<640xi32, #tpu.memory_space<hbm>>
    %dma_start3A_118 = arith.constant 0 : i32
    %dma_start3A_119 = tpu.memref_slice %arg12[%dma_start3A_113, %dma_start3A_118] : memref<16x640xi32, #tpu.memory_space<vmem>> -> memref<1x640xi32, #tpu.memory_space<vmem>>
    %dma_start3A_120 = tpu.memref_squeeze %dma_start3A_119 : memref<1x640xi32, #tpu.memory_space<vmem>> -> memref<640xi32, #tpu.memory_space<vmem>>
    %dma_start3A_121 = tpu.memref_slice %arg6[%add3A_112] : memref<327680xi32, #tpu.memory_space<hbm>> -> memref<640xi32, #tpu.memory_space<hbm>>
    tpu.enqueue_dma source(%dma_start3A_121 : memref<640xi32, #tpu.memory_space<hbm>>) target(%dma_start3A_120 : memref<640xi32, #tpu.memory_space<vmem>>) target_semaphore(%arg22 : memref<!tpu.dma_semaphore, #tpu.memory_space<semaphore_mem>>)
    %mul3A_122 = arith.constant 16 : i32
    %mul3A_123 = arith.muli %arg0, %mul3A_122 : i32
    %add3A_124 = arith.constant 1 : i32
    %add3A_125 = arith.addi %mul3A_123, %add3A_124 : i32
    %mul3A_126 = arith.constant 10240 : i32
    %mul3A_127 = arith.muli %add3A_125, %mul3A_126 : i32
    %multiple_of3A_128 = tpu.assume_multiple %mul3A_127, 10240 : i32
    %add3A_129 = arith.addi %multiple_of3A_128, %multiple_of3A_67 : i32
    %dma_start3A_130 = arith.constant 1 : i32
    %dma_start3A_131 = arith.constant 0 : i32
    %dma_start3A_132 = tpu.memref_slice %arg12[%dma_start3A_130, %dma_start3A_131] : memref<16x640xi32, #tpu.memory_space<vmem>> -> memref<1x640xi32, #tpu.memory_space<vmem>>
    %dma_start3A_133 = tpu.memref_squeeze %dma_start3A_132 : memref<1x640xi32, #tpu.memory_space<vmem>> -> memref<640xi32, #tpu.memory_space<vmem>>
    %dma_start3A_134 = tpu.memref_slice %arg6[%add3A_129] : memref<327680xi32, #tpu.memory_space<hbm>> -> memref<640xi32, #tpu.memory_space<hbm>>
    %dma_start3A_135 = arith.constant 0 : i32
    %dma_start3A_136 = tpu.memref_slice %arg12[%dma_start3A_130, %dma_start3A_135] : memref<16x640xi32, #tpu.memory_space<vmem>> -> memref<1x640xi32, #tpu.memory_space<vmem>>
    %dma_start3A_137 = tpu.memref_squeeze %dma_start3A_136 : memref<1x640xi32, #tpu.memory_space<vmem>> -> memref<640xi32, #tpu.memory_space<vmem>>
    %dma_start3A_138 = tpu.memref_slice %arg6[%add3A_129] : memref<327680xi32, #tpu.memory_space<hbm>> -> memref<640xi32, #tpu.memory_space<hbm>>
    tpu.enqueue_dma source(%dma_start3A_138 : memref<640xi32, #tpu.memory_space<hbm>>) target(%dma_start3A_137 : memref<640xi32, #tpu.memory_space<vmem>>) target_semaphore(%arg22 : memref<!tpu.dma_semaphore, #tpu.memory_space<semaphore_mem>>)
    %mul3A_139 = arith.constant 16 : i32
    %mul3A_140 = arith.muli %arg0, %mul3A_139 : i32
    %add3A_141 = arith.constant 2 : i32
    %add3A_142 = arith.addi %mul3A_140, %add3A_141 : i32
    %mul3A_143 = arith.constant 10240 : i32
    %mul3A_144 = arith.muli %add3A_142, %mul3A_143 : i32
    %multiple_of3A_145 = tpu.assume_multiple %mul3A_144, 10240 : i32
    %add3A_146 = arith.addi %multiple_of3A_145, %multiple_of3A_67 : i32
    %dma_start3A_147 = arith.constant 2 : i32
    %dma_start3A_148 = arith.constant 0 : i32
    %dma_start3A_149 = tpu.memref_slice %arg12[%dma_start3A_147, %dma_start3A_148] : memref<16x640xi32, #tpu.memory_space<vmem>> -> memref<1x640xi32, #tpu.memory_space<vmem>>
    %dma_start3A_150 = tpu.memref_squeeze %dma_start3A_149 : memref<1x640xi32, #tpu.memory_space<vmem>> -> memref<640xi32, #tpu.memory_space<vmem>>
    %dma_start3A_151 = tpu.memref_slice %arg6[%add3A_146] : memref<327680xi32, #tpu.memory_space<hbm>> -> memref<640xi32, #tpu.memory_space<hbm>>
    %dma_start3A_152 = arith.constant 0 : i32
    %dma_start3A_153 = tpu.memref_slice %arg12[%dma_start3A_147, %dma_start3A_152] : memref<16x640xi32, #tpu.memory_space<vmem>> -> memref<1x640xi32, #tpu.memory_space<vmem>>
    %dma_start3A_154 = tpu.memref_squeeze %dma_start3A_153 : memref<1x640xi32, #tpu.memory_space<vmem>> -> memref<640xi32, #tpu.memory_space<vmem>>
    %dma_start3A_155 = tpu.memref_slice %arg6[%add3A_146] : memref<327680xi32, #tpu.memory_space<hbm>> -> memref<640xi32, #tpu.memory_space<hbm>>
    tpu.enqueue_dma source(%dma_start3A_155 : memref<640xi32, #tpu.memory_space<hbm>>) target(%dma_start3A_154 : memref<640xi32, #tpu.memory_space<vmem>>) target_semaphore(%arg22 : memref<!tpu.dma_semaphore, #tpu.memory_space<semaphore_mem>>)
    %mul3A_156 = arith.constant 16 : i32
    %mul3A_157 = arith.muli %arg0, %mul3A_156 : i32
    %add3A_158 = arith.constant 3 : i32
    %add3A_159 = arith.addi %mul3A_157, %add3A_158 : i32
    %mul3A_160 = arith.constant 10240 : i32
    %mul3A_161 = arith.muli %add3A_159, %mul3A_160 : i32
    %multiple_of3A_162 = tpu.assume_multiple %mul3A_161, 10240 : i32
    %add3A_163 = arith.addi %multiple_of3A_162, %multiple_of3A_67 : i32
    %dma_start3A_164 = arith.constant 3 : i32
    %dma_start3A_165 = arith.constant 0 : i32
    %dma_start3A_166 = tpu.memref_slice %arg12[%dma_start3A_164, %dma_start3A_165] : memref<16x640xi32, #tpu.memory_space<vmem>> -> memref<1x640xi32, #tpu.memory_space<vmem>>
    %dma_start3A_167 = tpu.memref_squeeze %dma_start3A_166 : memref<1x640xi32, #tpu.memory_space<vmem>> -> memref<640xi32, #tpu.memory_space<vmem>>
    %dma_start3A_168 = tpu.memref_slice %arg6[%add3A_163] : memref<327680xi32, #tpu.memory_space<hbm>> -> memref<640xi32, #tpu.memory_space<hbm>>
    %dma_start3A_169 = arith.constant 0 : i32
    %dma_start3A_170 = tpu.memref_slice %arg12[%dma_start3A_164, %dma_start3A_169] : memref<16x640xi32, #tpu.memory_space<vmem>> -> memref<1x640xi32, #tpu.memory_space<vmem>>
    %dma_start3A_171 = tpu.memref_squeeze %dma_start3A_170 : memref<1x640xi32, #tpu.memory_space<vmem>> -> memref<640xi32, #tpu.memory_space<vmem>>
    %dma_start3A_172 = tpu.memref_slice %arg6[%add3A_163] : memref<327680xi32, #tpu.memory_space<hbm>> -> memref<640xi32, #tpu.memory_space<hbm>>
    tpu.enqueue_dma source(%dma_start3A_172 : memref<640xi32, #tpu.memory_space<hbm>>) target(%dma_start3A_171 : memref<640xi32, #tpu.memory_space<vmem>>) target_semaphore(%arg22 : memref<!tpu.dma_semaphore, #tpu.memory_space<semaphore_mem>>)
    %mul3A_173 = arith.constant 16 : i32
    %mul3A_174 = arith.muli %arg0, %mul3A_173 : i32
    %add3A_175 = arith.constant 4 : i32
    %add3A_176 = arith.addi %mul3A_174, %add3A_175 : i32
    %mul3A_177 = arith.constant 10240 : i32
    %mul3A_178 = arith.muli %add3A_176, %mul3A_177 : i32
    %multiple_of3A_179 = tpu.assume_multiple %mul3A_178, 10240 : i32
    %add3A_180 = arith.addi %multiple_of3A_179, %multiple_of3A_67 : i32
    %dma_start3A_181 = arith.constant 4 : i32
    %dma_start3A_182 = arith.constant 0 : i32
    %dma_start3A_183 = tpu.memref_slice %arg12[%dma_start3A_181, %dma_start3A_182] : memref<16x640xi32, #tpu.memory_space<vmem>> -> memref<1x640xi32, #tpu.memory_space<vmem>>
    %dma_start3A_184 = tpu.memref_squeeze %dma_start3A_183 : memref<1x640xi32, #tpu.memory_space<vmem>> -> memref<640xi32, #tpu.memory_space<vmem>>
    %dma_start3A_185 = tpu.memref_slice %arg6[%add3A_180] : memref<327680xi32, #tpu.memory_space<hbm>> -> memref<640xi32, #tpu.memory_space<hbm>>
    %dma_start3A_186 = arith.constant 0 : i32
    %dma_start3A_187 = tpu.memref_slice %arg12[%dma_start3A_181, %dma_start3A_186] : memref<16x640xi32, #tpu.memory_space<vmem>> -> memref<1x640xi32, #tpu.memory_space<vmem>>
    %dma_start3A_188 = tpu.memref_squeeze %dma_start3A_187 : memref<1x640xi32, #tpu.memory_space<vmem>> -> memref<640xi32, #tpu.memory_space<vmem>>
    %dma_start3A_189 = tpu.memref_slice %arg6[%add3A_180] : memref<327680xi32, #tpu.memory_space<hbm>> -> memref<640xi32, #tpu.memory_space<hbm>>
    tpu.enqueue_dma source(%dma_start3A_189 : memref<640xi32, #tpu.memory_space<hbm>>) target(%dma_start3A_188 : memref<640xi32, #tpu.memory_space<vmem>>) target_semaphore(%arg22 : memref<!tpu.dma_semaphore, #tpu.memory_space<semaphore_mem>>)
    %mul3A_190 = arith.constant 16 : i32
    %mul3A_191 = arith.muli %arg0, %mul3A_190 : i32
    %add3A_192 = arith.constant 5 : i32
    %add3A_193 = arith.addi %mul3A_191, %add3A_192 : i32
    %mul3A_194 = arith.constant 10240 : i32
    %mul3A_195 = arith.muli %add3A_193, %mul3A_194 : i32
    %multiple_of3A_196 = tpu.assume_multiple %mul3A_195, 10240 : i32
    %add3A_197 = arith.addi %multiple_of3A_196, %multiple_of3A_67 : i32
    %dma_start3A_198 = arith.constant 5 : i32
    %dma_start3A_199 = arith.constant 0 : i32
    %dma_start3A_200 = tpu.memref_slice %arg12[%dma_start3A_198, %dma_start3A_199] : memref<16x640xi32, #tpu.memory_space<vmem>> -> memref<1x640xi32, #tpu.memory_space<vmem>>
    %dma_start3A_201 = tpu.memref_squeeze %dma_start3A_200 : memref<1x640xi32, #tpu.memory_space<vmem>> -> memref<640xi32, #tpu.memory_space<vmem>>
    %dma_start3A_202 = tpu.memref_slice %arg6[%add3A_197] : memref<327680xi32, #tpu.memory_space<hbm>> -> memref<640xi32, #tpu.memory_space<hbm>>
    %dma_start3A_203 = arith.constant 0 : i32
    %dma_start3A_204 = tpu.memref_slice %arg12[%dma_start3A_198, %dma_start3A_203] : memref<16x640xi32, #tpu.memory_space<vmem>> -> memref<1x640xi32, #tpu.memory_space<vmem>>
    %dma_start3A_205 = tpu.memref_squeeze %dma_start3A_204 : memref<1x640xi32, #tpu.memory_space<vmem>> -> memref<640xi32, #tpu.memory_space<vmem>>
    %dma_start3A_206 = tpu.memref_slice %arg6[%add3A_197] : memref<327680xi32, #tpu.memory_space<hbm>> -> memref<640xi32, #tpu.memory_space<hbm>>
    tpu.enqueue_dma source(%dma_start3A_206 : memref<640xi32, #tpu.memory_space<hbm>>) target(%dma_start3A_205 : memref<640xi32, #tpu.memory_space<vmem>>) target_semaphore(%arg22 : memref<!tpu.dma_semaphore, #tpu.memory_space<semaphore_mem>>)
    %mul3A_207 = arith.constant 16 : i32
    %mul3A_208 = arith.muli %arg0, %mul3A_207 : i32
    %add3A_209 = arith.constant 6 : i32
    %add3A_210 = arith.addi %mul3A_208, %add3A_209 : i32
    %mul3A_211 = arith.constant 10240 : i32
    %mul3A_212 = arith.muli %add3A_210, %mul3A_211 : i32
    %multiple_of3A_213 = tpu.assume_multiple %mul3A_212, 10240 : i32
    %add3A_214 = arith.addi %multiple_of3A_213, %multiple_of3A_67 : i32
    %dma_start3A_215 = arith.constant 6 : i32
    %dma_start3A_216 = arith.constant 0 : i32
    %dma_start3A_217 = tpu.memref_slice %arg12[%dma_start3A_215, %dma_start3A_216] : memref<16x640xi32, #tpu.memory_space<vmem>> -> memref<1x640xi32, #tpu.memory_space<vmem>>
    %dma_start3A_218 = tpu.memref_squeeze %dma_start3A_217 : memref<1x640xi32, #tpu.memory_space<vmem>> -> memref<640xi32, #tpu.memory_space<vmem>>
    %dma_start3A_219 = tpu.memref_slice %arg6[%add3A_214] : memref<327680xi32, #tpu.memory_space<hbm>> -> memref<640xi32, #tpu.memory_space<hbm>>
    %dma_start3A_220 = arith.constant 0 : i32
    %dma_start3A_221 = tpu.memref_slice %arg12[%dma_start3A_215, %dma_start3A_220] : memref<16x640xi32, #tpu.memory_space<vmem>> -> memref<1x640xi32, #tpu.memory_space<vmem>>
    %dma_start3A_222 = tpu.memref_squeeze %dma_start3A_221 : memref<1x640xi32, #tpu.memory_space<vmem>> -> memref<640xi32, #tpu.memory_space<vmem>>
    %dma_start3A_223 = tpu.memref_slice %arg6[%add3A_214] : memref<327680xi32, #tpu.memory_space<hbm>> -> memref<640xi32, #tpu.memory_space<hbm>>
    tpu.enqueue_dma source(%dma_start3A_223 : memref<640xi32, #tpu.memory_space<hbm>>) target(%dma_start3A_222 : memref<640xi32, #tpu.memory_space<vmem>>) target_semaphore(%arg22 : memref<!tpu.dma_semaphore, #tpu.memory_space<semaphore_mem>>)
    %mul3A_224 = arith.constant 16 : i32
    %mul3A_225 = arith.muli %arg0, %mul3A_224 : i32
    %add3A_226 = arith.constant 7 : i32
    %add3A_227 = arith.addi %mul3A_225, %add3A_226 : i32
    %mul3A_228 = arith.constant 10240 : i32
    %mul3A_229 = arith.muli %add3A_227, %mul3A_228 : i32
    %multiple_of3A_230 = tpu.assume_multiple %mul3A_229, 10240 : i32
    %add3A_231 = arith.addi %multiple_of3A_230, %multiple_of3A_67 : i32
    %dma_start3A_232 = arith.constant 7 : i32
    %dma_start3A_233 = arith.constant 0 : i32
    %dma_start3A_234 = tpu.memref_slice %arg12[%dma_start3A_232, %dma_start3A_233] : memref<16x640xi32, #tpu.memory_space<vmem>> -> memref<1x640xi32, #tpu.memory_space<vmem>>
    %dma_start3A_235 = tpu.memref_squeeze %dma_start3A_234 : memref<1x640xi32, #tpu.memory_space<vmem>> -> memref<640xi32, #tpu.memory_space<vmem>>
    %dma_start3A_236 = tpu.memref_slice %arg6[%add3A_231] : memref<327680xi32, #tpu.memory_space<hbm>> -> memref<640xi32, #tpu.memory_space<hbm>>
    %dma_start3A_237 = arith.constant 0 : i32
    %dma_start3A_238 = tpu.memref_slice %arg12[%dma_start3A_232, %dma_start3A_237] : memref<16x640xi32, #tpu.memory_space<vmem>> -> memref<1x640xi32, #tpu.memory_space<vmem>>
    %dma_start3A_239 = tpu.memref_squeeze %dma_start3A_238 : memref<1x640xi32, #tpu.memory_space<vmem>> -> memref<640xi32, #tpu.memory_space<vmem>>
    %dma_start3A_240 = tpu.memref_slice %arg6[%add3A_231] : memref<327680xi32, #tpu.memory_space<hbm>> -> memref<640xi32, #tpu.memory_space<hbm>>
    tpu.enqueue_dma source(%dma_start3A_240 : memref<640xi32, #tpu.memory_space<hbm>>) target(%dma_start3A_239 : memref<640xi32, #tpu.memory_space<vmem>>) target_semaphore(%arg22 : memref<!tpu.dma_semaphore, #tpu.memory_space<semaphore_mem>>)
    %mul3A_241 = arith.constant 16 : i32
    %mul3A_242 = arith.muli %arg0, %mul3A_241 : i32
    %add3A_243 = arith.constant 8 : i32
    %add3A_244 = arith.addi %mul3A_242, %add3A_243 : i32
    %mul3A_245 = arith.constant 10240 : i32
    %mul3A_246 = arith.muli %add3A_244, %mul3A_245 : i32
    %multiple_of3A_247 = tpu.assume_multiple %mul3A_246, 10240 : i32
    %add3A_248 = arith.addi %multiple_of3A_247, %multiple_of3A_67 : i32
    %dma_start3A_249 = arith.constant 8 : i32
    %dma_start3A_250 = arith.constant 0 : i32
    %dma_start3A_251 = tpu.memref_slice %arg12[%dma_start3A_249, %dma_start3A_250] : memref<16x640xi32, #tpu.memory_space<vmem>> -> memref<1x640xi32, #tpu.memory_space<vmem>>
    %dma_start3A_252 = tpu.memref_squeeze %dma_start3A_251 : memref<1x640xi32, #tpu.memory_space<vmem>> -> memref<640xi32, #tpu.memory_space<vmem>>
    %dma_start3A_253 = tpu.memref_slice %arg6[%add3A_248] : memref<327680xi32, #tpu.memory_space<hbm>> -> memref<640xi32, #tpu.memory_space<hbm>>
    %dma_start3A_254 = arith.constant 0 : i32
    %dma_start3A_255 = tpu.memref_slice %arg12[%dma_start3A_249, %dma_start3A_254] : memref<16x640xi32, #tpu.memory_space<vmem>> -> memref<1x640xi32, #tpu.memory_space<vmem>>
    %dma_start3A_256 = tpu.memref_squeeze %dma_start3A_255 : memref<1x640xi32, #tpu.memory_space<vmem>> -> memref<640xi32, #tpu.memory_space<vmem>>
    %dma_start3A_257 = tpu.memref_slice %arg6[%add3A_248] : memref<327680xi32, #tpu.memory_space<hbm>> -> memref<640xi32, #tpu.memory_space<hbm>>
    tpu.enqueue_dma source(%dma_start3A_257 : memref<640xi32, #tpu.memory_space<hbm>>) target(%dma_start3A_256 : memref<640xi32, #tpu.memory_space<vmem>>) target_semaphore(%arg22 : memref<!tpu.dma_semaphore, #tpu.memory_space<semaphore_mem>>)
    %mul3A_258 = arith.constant 16 : i32
    %mul3A_259 = arith.muli %arg0, %mul3A_258 : i32
    %add3A_260 = arith.constant 9 : i32
    %add3A_261 = arith.addi %mul3A_259, %add3A_260 : i32
    %mul3A_262 = arith.constant 10240 : i32
    %mul3A_263 = arith.muli %add3A_261, %mul3A_262 : i32
    %multiple_of3A_264 = tpu.assume_multiple %mul3A_263, 10240 : i32
    %add3A_265 = arith.addi %multiple_of3A_264, %multiple_of3A_67 : i32
    %dma_start3A_266 = arith.constant 9 : i32
    %dma_start3A_267 = arith.constant 0 : i32
    %dma_start3A_268 = tpu.memref_slice %arg12[%dma_start3A_266, %dma_start3A_267] : memref<16x640xi32, #tpu.memory_space<vmem>> -> memref<1x640xi32, #tpu.memory_space<vmem>>
    %dma_start3A_269 = tpu.memref_squeeze %dma_start3A_268 : memref<1x640xi32, #tpu.memory_space<vmem>> -> memref<640xi32, #tpu.memory_space<vmem>>
    %dma_start3A_270 = tpu.memref_slice %arg6[%add3A_265] : memref<327680xi32, #tpu.memory_space<hbm>> -> memref<640xi32, #tpu.memory_space<hbm>>
    %dma_start3A_271 = arith.constant 0 : i32
    %dma_start3A_272 = tpu.memref_slice %arg12[%dma_start3A_266, %dma_start3A_271] : memref<16x640xi32, #tpu.memory_space<vmem>> -> memref<1x640xi32, #tpu.memory_space<vmem>>
    %dma_start3A_273 = tpu.memref_squeeze %dma_start3A_272 : memref<1x640xi32, #tpu.memory_space<vmem>> -> memref<640xi32, #tpu.memory_space<vmem>>
    %dma_start3A_274 = tpu.memref_slice %arg6[%add3A_265] : memref<327680xi32, #tpu.memory_space<hbm>> -> memref<640xi32, #tpu.memory_space<hbm>>
    tpu.enqueue_dma source(%dma_start3A_274 : memref<640xi32, #tpu.memory_space<hbm>>) target(%dma_start3A_273 : memref<640xi32, #tpu.memory_space<vmem>>) target_semaphore(%arg22 : memref<!tpu.dma_semaphore, #tpu.memory_space<semaphore_mem>>)
    %mul3A_275 = arith.constant 16 : i32
    %mul3A_276 = arith.muli %arg0, %mul3A_275 : i32
    %add3A_277 = arith.constant 10 : i32
    %add3A_278 = arith.addi %mul3A_276, %add3A_277 : i32
    %mul3A_279 = arith.constant 10240 : i32
    %mul3A_280 = arith.muli %add3A_278, %mul3A_279 : i32
    %multiple_of3A_281 = tpu.assume_multiple %mul3A_280, 10240 : i32
    %add3A_282 = arith.addi %multiple_of3A_281, %multiple_of3A_67 : i32
    %dma_start3A_283 = arith.constant 10 : i32
    %dma_start3A_284 = arith.constant 0 : i32
    %dma_start3A_285 = tpu.memref_slice %arg12[%dma_start3A_283, %dma_start3A_284] : memref<16x640xi32, #tpu.memory_space<vmem>> -> memref<1x640xi32, #tpu.memory_space<vmem>>
    %dma_start3A_286 = tpu.memref_squeeze %dma_start3A_285 : memref<1x640xi32, #tpu.memory_space<vmem>> -> memref<640xi32, #tpu.memory_space<vmem>>
    %dma_start3A_287 = tpu.memref_slice %arg6[%add3A_282] : memref<327680xi32, #tpu.memory_space<hbm>> -> memref<640xi32, #tpu.memory_space<hbm>>
    %dma_start3A_288 = arith.constant 0 : i32
    %dma_start3A_289 = tpu.memref_slice %arg12[%dma_start3A_283, %dma_start3A_288] : memref<16x640xi32, #tpu.memory_space<vmem>> -> memref<1x640xi32, #tpu.memory_space<vmem>>
    %dma_start3A_290 = tpu.memref_squeeze %dma_start3A_289 : memref<1x640xi32, #tpu.memory_space<vmem>> -> memref<640xi32, #tpu.memory_space<vmem>>
    %dma_start3A_291 = tpu.memref_slice %arg6[%add3A_282] : memref<327680xi32, #tpu.memory_space<hbm>> -> memref<640xi32, #tpu.memory_space<hbm>>
    tpu.enqueue_dma source(%dma_start3A_291 : memref<640xi32, #tpu.memory_space<hbm>>) target(%dma_start3A_290 : memref<640xi32, #tpu.memory_space<vmem>>) target_semaphore(%arg22 : memref<!tpu.dma_semaphore, #tpu.memory_space<semaphore_mem>>)
    %mul3A_292 = arith.constant 16 : i32
    %mul3A_293 = arith.muli %arg0, %mul3A_292 : i32
    %add3A_294 = arith.constant 11 : i32
    %add3A_295 = arith.addi %mul3A_293, %add3A_294 : i32
    %mul3A_296 = arith.constant 10240 : i32
    %mul3A_297 = arith.muli %add3A_295, %mul3A_296 : i32
    %multiple_of3A_298 = tpu.assume_multiple %mul3A_297, 10240 : i32
    %add3A_299 = arith.addi %multiple_of3A_298, %multiple_of3A_67 : i32
    %dma_start3A_300 = arith.constant 11 : i32
    %dma_start3A_301 = arith.constant 0 : i32
    %dma_start3A_302 = tpu.memref_slice %arg12[%dma_start3A_300, %dma_start3A_301] : memref<16x640xi32, #tpu.memory_space<vmem>> -> memref<1x640xi32, #tpu.memory_space<vmem>>
    %dma_start3A_303 = tpu.memref_squeeze %dma_start3A_302 : memref<1x640xi32, #tpu.memory_space<vmem>> -> memref<640xi32, #tpu.memory_space<vmem>>
    %dma_start3A_304 = tpu.memref_slice %arg6[%add3A_299] : memref<327680xi32, #tpu.memory_space<hbm>> -> memref<640xi32, #tpu.memory_space<hbm>>
    %dma_start3A_305 = arith.constant 0 : i32
    %dma_start3A_306 = tpu.memref_slice %arg12[%dma_start3A_300, %dma_start3A_305] : memref<16x640xi32, #tpu.memory_space<vmem>> -> memref<1x640xi32, #tpu.memory_space<vmem>>
    %dma_start3A_307 = tpu.memref_squeeze %dma_start3A_306 : memref<1x640xi32, #tpu.memory_space<vmem>> -> memref<640xi32, #tpu.memory_space<vmem>>
    %dma_start3A_308 = tpu.memref_slice %arg6[%add3A_299] : memref<327680xi32, #tpu.memory_space<hbm>> -> memref<640xi32, #tpu.memory_space<hbm>>
    tpu.enqueue_dma source(%dma_start3A_308 : memref<640xi32, #tpu.memory_space<hbm>>) target(%dma_start3A_307 : memref<640xi32, #tpu.memory_space<vmem>>) target_semaphore(%arg22 : memref<!tpu.dma_semaphore, #tpu.memory_space<semaphore_mem>>)
    %mul3A_309 = arith.constant 16 : i32
    %mul3A_310 = arith.muli %arg0, %mul3A_309 : i32
    %add3A_311 = arith.constant 12 : i32
    %add3A_312 = arith.addi %mul3A_310, %add3A_311 : i32
    %mul3A_313 = arith.constant 10240 : i32
    %mul3A_314 = arith.muli %add3A_312, %mul3A_313 : i32
    %multiple_of3A_315 = tpu.assume_multiple %mul3A_314, 10240 : i32
    %add3A_316 = arith.addi %multiple_of3A_315, %multiple_of3A_67 : i32
    %dma_start3A_317 = arith.constant 12 : i32
    %dma_start3A_318 = arith.constant 0 : i32
    %dma_start3A_319 = tpu.memref_slice %arg12[%dma_start3A_317, %dma_start3A_318] : memref<16x640xi32, #tpu.memory_space<vmem>> -> memref<1x640xi32, #tpu.memory_space<vmem>>
    %dma_start3A_320 = tpu.memref_squeeze %dma_start3A_319 : memref<1x640xi32, #tpu.memory_space<vmem>> -> memref<640xi32, #tpu.memory_space<vmem>>
    %dma_start3A_321 = tpu.memref_slice %arg6[%add3A_316] : memref<327680xi32, #tpu.memory_space<hbm>> -> memref<640xi32, #tpu.memory_space<hbm>>
    %dma_start3A_322 = arith.constant 0 : i32
    %dma_start3A_323 = tpu.memref_slice %arg12[%dma_start3A_317, %dma_start3A_322] : memref<16x640xi32, #tpu.memory_space<vmem>> -> memref<1x640xi32, #tpu.memory_space<vmem>>
    %dma_start3A_324 = tpu.memref_squeeze %dma_start3A_323 : memref<1x640xi32, #tpu.memory_space<vmem>> -> memref<640xi32, #tpu.memory_space<vmem>>
    %dma_start3A_325 = tpu.memref_slice %arg6[%add3A_316] : memref<327680xi32, #tpu.memory_space<hbm>> -> memref<640xi32, #tpu.memory_space<hbm>>
    tpu.enqueue_dma source(%dma_start3A_325 : memref<640xi32, #tpu.memory_space<hbm>>) target(%dma_start3A_324 : memref<640xi32, #tpu.memory_space<vmem>>) target_semaphore(%arg22 : memref<!tpu.dma_semaphore, #tpu.memory_space<semaphore_mem>>)
    %mul3A_326 = arith.constant 16 : i32
    %mul3A_327 = arith.muli %arg0, %mul3A_326 : i32
    %add3A_328 = arith.constant 13 : i32
    %add3A_329 = arith.addi %mul3A_327, %add3A_328 : i32
    %mul3A_330 = arith.constant 10240 : i32
    %mul3A_331 = arith.muli %add3A_329, %mul3A_330 : i32
    %multiple_of3A_332 = tpu.assume_multiple %mul3A_331, 10240 : i32
    %add3A_333 = arith.addi %multiple_of3A_332, %multiple_of3A_67 : i32
    %dma_start3A_334 = arith.constant 13 : i32
    %dma_start3A_335 = arith.constant 0 : i32
    %dma_start3A_336 = tpu.memref_slice %arg12[%dma_start3A_334, %dma_start3A_335] : memref<16x640xi32, #tpu.memory_space<vmem>> -> memref<1x640xi32, #tpu.memory_space<vmem>>
    %dma_start3A_337 = tpu.memref_squeeze %dma_start3A_336 : memref<1x640xi32, #tpu.memory_space<vmem>> -> memref<640xi32, #tpu.memory_space<vmem>>
    %dma_start3A_338 = tpu.memref_slice %arg6[%add3A_333] : memref<327680xi32, #tpu.memory_space<hbm>> -> memref<640xi32, #tpu.memory_space<hbm>>
    %dma_start3A_339 = arith.constant 0 : i32
    %dma_start3A_340 = tpu.memref_slice %arg12[%dma_start3A_334, %dma_start3A_339] : memref<16x640xi32, #tpu.memory_space<vmem>> -> memref<1x640xi32, #tpu.memory_space<vmem>>
    %dma_start3A_341 = tpu.memref_squeeze %dma_start3A_340 : memref<1x640xi32, #tpu.memory_space<vmem>> -> memref<640xi32, #tpu.memory_space<vmem>>
    %dma_start3A_342 = tpu.memref_slice %arg6[%add3A_333] : memref<327680xi32, #tpu.memory_space<hbm>> -> memref<640xi32, #tpu.memory_space<hbm>>
    tpu.enqueue_dma source(%dma_start3A_342 : memref<640xi32, #tpu.memory_space<hbm>>) target(%dma_start3A_341 : memref<640xi32, #tpu.memory_space<vmem>>) target_semaphore(%arg22 : memref<!tpu.dma_semaphore, #tpu.memory_space<semaphore_mem>>)
    %mul3A_343 = arith.constant 16 : i32
    %mul3A_344 = arith.muli %arg0, %mul3A_343 : i32
    %add3A_345 = arith.constant 14 : i32
    %add3A_346 = arith.addi %mul3A_344, %add3A_345 : i32
    %mul3A_347 = arith.constant 10240 : i32
    %mul3A_348 = arith.muli %add3A_346, %mul3A_347 : i32
    %multiple_of3A_349 = tpu.assume_multiple %mul3A_348, 10240 : i32
    %add3A_350 = arith.addi %multiple_of3A_349, %multiple_of3A_67 : i32
    %dma_start3A_351 = arith.constant 14 : i32
    %dma_start3A_352 = arith.constant 0 : i32
    %dma_start3A_353 = tpu.memref_slice %arg12[%dma_start3A_351, %dma_start3A_352] : memref<16x640xi32, #tpu.memory_space<vmem>> -> memref<1x640xi32, #tpu.memory_space<vmem>>
    %dma_start3A_354 = tpu.memref_squeeze %dma_start3A_353 : memref<1x640xi32, #tpu.memory_space<vmem>> -> memref<640xi32, #tpu.memory_space<vmem>>
    %dma_start3A_355 = tpu.memref_slice %arg6[%add3A_350] : memref<327680xi32, #tpu.memory_space<hbm>> -> memref<640xi32, #tpu.memory_space<hbm>>
    %dma_start3A_356 = arith.constant 0 : i32
    %dma_start3A_357 = tpu.memref_slice %arg12[%dma_start3A_351, %dma_start3A_356] : memref<16x640xi32, #tpu.memory_space<vmem>> -> memref<1x640xi32, #tpu.memory_space<vmem>>
    %dma_start3A_358 = tpu.memref_squeeze %dma_start3A_357 : memref<1x640xi32, #tpu.memory_space<vmem>> -> memref<640xi32, #tpu.memory_space<vmem>>
    %dma_start3A_359 = tpu.memref_slice %arg6[%add3A_350] : memref<327680xi32, #tpu.memory_space<hbm>> -> memref<640xi32, #tpu.memory_space<hbm>>
    tpu.enqueue_dma source(%dma_start3A_359 : memref<640xi32, #tpu.memory_space<hbm>>) target(%dma_start3A_358 : memref<640xi32, #tpu.memory_space<vmem>>) target_semaphore(%arg22 : memref<!tpu.dma_semaphore, #tpu.memory_space<semaphore_mem>>)
    %mul3A_360 = arith.constant 16 : i32
    %mul3A_361 = arith.muli %arg0, %mul3A_360 : i32
    %add3A_362 = arith.constant 15 : i32
    %add3A_363 = arith.addi %mul3A_361, %add3A_362 : i32
    %mul3A_364 = arith.constant 10240 : i32
    %mul3A_365 = arith.muli %add3A_363, %mul3A_364 : i32
    %multiple_of3A_366 = tpu.assume_multiple %mul3A_365, 10240 : i32
    %add3A_367 = arith.addi %multiple_of3A_366, %multiple_of3A_67 : i32
    %dma_start3A_368 = arith.constant 15 : i32
    %dma_start3A_369 = arith.constant 0 : i32
    %dma_start3A_370 = tpu.memref_slice %arg12[%dma_start3A_368, %dma_start3A_369] : memref<16x640xi32, #tpu.memory_space<vmem>> -> memref<1x640xi32, #tpu.memory_space<vmem>>
    %dma_start3A_371 = tpu.memref_squeeze %dma_start3A_370 : memref<1x640xi32, #tpu.memory_space<vmem>> -> memref<640xi32, #tpu.memory_space<vmem>>
    %dma_start3A_372 = tpu.memref_slice %arg6[%add3A_367] : memref<327680xi32, #tpu.memory_space<hbm>> -> memref<640xi32, #tpu.memory_space<hbm>>
    %dma_start3A_373 = arith.constant 0 : i32
    %dma_start3A_374 = tpu.memref_slice %arg12[%dma_start3A_368, %dma_start3A_373] : memref<16x640xi32, #tpu.memory_space<vmem>> -> memref<1x640xi32, #tpu.memory_space<vmem>>
    %dma_start3A_375 = tpu.memref_squeeze %dma_start3A_374 : memref<1x640xi32, #tpu.memory_space<vmem>> -> memref<640xi32, #tpu.memory_space<vmem>>
    %dma_start3A_376 = tpu.memref_slice %arg6[%add3A_367] : memref<327680xi32, #tpu.memory_space<hbm>> -> memref<640xi32, #tpu.memory_space<hbm>>
    tpu.enqueue_dma source(%dma_start3A_376 : memref<640xi32, #tpu.memory_space<hbm>>) target(%dma_start3A_375 : memref<640xi32, #tpu.memory_space<vmem>>) target_semaphore(%arg22 : memref<!tpu.dma_semaphore, #tpu.memory_space<semaphore_mem>>)
    %dma_wait3A_377 = arith.constant 0 : i32
    %dma_wait3A_378 = arith.constant 0 : i32
    %dma_wait3A_379 = tpu.memref_slice %arg12[%dma_wait3A_377, %dma_wait3A_378] : memref<16x640xi32, #tpu.memory_space<vmem>> -> memref<1x640xi32, #tpu.memory_space<vmem>>
    %dma_wait3A_380 = tpu.memref_squeeze %dma_wait3A_379 : memref<1x640xi32, #tpu.memory_space<vmem>> -> memref<640xi32, #tpu.memory_space<vmem>>
    %dma_wait3A_381 = tpu.memref_slice %arg6[%add3A_112] : memref<327680xi32, #tpu.memory_space<hbm>> -> memref<640xi32, #tpu.memory_space<hbm>>
    %dma_wait3A_382 = arith.constant 0 : i32
    %dma_wait3A_383 = tpu.memref_slice %arg12[%dma_wait3A_377, %dma_wait3A_382] : memref<16x640xi32, #tpu.memory_space<vmem>> -> memref<1x640xi32, #tpu.memory_space<vmem>>
    %dma_wait3A_384 = tpu.memref_squeeze %dma_wait3A_383 : memref<1x640xi32, #tpu.memory_space<vmem>> -> memref<640xi32, #tpu.memory_space<vmem>>
    %dma_wait3A_385 = tpu.memref_slice %arg6[%add3A_112] : memref<327680xi32, #tpu.memory_space<hbm>> -> memref<640xi32, #tpu.memory_space<hbm>>
    tpu.wait_dma2 semaphore(%arg22 : memref<!tpu.dma_semaphore, #tpu.memory_space<semaphore_mem>>) src(%dma_wait3A_385 : memref<640xi32, #tpu.memory_space<hbm>>) dst(%dma_wait3A_384 : memref<640xi32, #tpu.memory_space<vmem>>)
    %dma_wait3A_386 = arith.constant 1 : i32
    %dma_wait3A_387 = arith.constant 0 : i32
    %dma_wait3A_388 = tpu.memref_slice %arg12[%dma_wait3A_386, %dma_wait3A_387] : memref<16x640xi32, #tpu.memory_space<vmem>> -> memref<1x640xi32, #tpu.memory_space<vmem>>
    %dma_wait3A_389 = tpu.memref_squeeze %dma_wait3A_388 : memref<1x640xi32, #tpu.memory_space<vmem>> -> memref<640xi32, #tpu.memory_space<vmem>>
    %dma_wait3A_390 = tpu.memref_slice %arg6[%add3A_129] : memref<327680xi32, #tpu.memory_space<hbm>> -> memref<640xi32, #tpu.memory_space<hbm>>
    %dma_wait3A_391 = arith.constant 0 : i32
    %dma_wait3A_392 = tpu.memref_slice %arg12[%dma_wait3A_386, %dma_wait3A_391] : memref<16x640xi32, #tpu.memory_space<vmem>> -> memref<1x640xi32, #tpu.memory_space<vmem>>
    %dma_wait3A_393 = tpu.memref_squeeze %dma_wait3A_392 : memref<1x640xi32, #tpu.memory_space<vmem>> -> memref<640xi32, #tpu.memory_space<vmem>>
    %dma_wait3A_394 = tpu.memref_slice %arg6[%add3A_129] : memref<327680xi32, #tpu.memory_space<hbm>> -> memref<640xi32, #tpu.memory_space<hbm>>
    tpu.wait_dma2 semaphore(%arg22 : memref<!tpu.dma_semaphore, #tpu.memory_space<semaphore_mem>>) src(%dma_wait3A_394 : memref<640xi32, #tpu.memory_space<hbm>>) dst(%dma_wait3A_393 : memref<640xi32, #tpu.memory_space<vmem>>)
    %dma_wait3A_395 = arith.constant 2 : i32
    %dma_wait3A_396 = arith.constant 0 : i32
    %dma_wait3A_397 = tpu.memref_slice %arg12[%dma_wait3A_395, %dma_wait3A_396] : memref<16x640xi32, #tpu.memory_space<vmem>> -> memref<1x640xi32, #tpu.memory_space<vmem>>
    %dma_wait3A_398 = tpu.memref_squeeze %dma_wait3A_397 : memref<1x640xi32, #tpu.memory_space<vmem>> -> memref<640xi32, #tpu.memory_space<vmem>>
    %dma_wait3A_399 = tpu.memref_slice %arg6[%add3A_146] : memref<327680xi32, #tpu.memory_space<hbm>> -> memref<640xi32, #tpu.memory_space<hbm>>
    %dma_wait3A_400 = arith.constant 0 : i32
    %dma_wait3A_401 = tpu.memref_slice %arg12[%dma_wait3A_395, %dma_wait3A_400] : memref<16x640xi32, #tpu.memory_space<vmem>> -> memref<1x640xi32, #tpu.memory_space<vmem>>
    %dma_wait3A_402 = tpu.memref_squeeze %dma_wait3A_401 : memref<1x640xi32, #tpu.memory_space<vmem>> -> memref<640xi32, #tpu.memory_space<vmem>>
    %dma_wait3A_403 = tpu.memref_slice %arg6[%add3A_146] : memref<327680xi32, #tpu.memory_space<hbm>> -> memref<640xi32, #tpu.memory_space<hbm>>
    tpu.wait_dma2 semaphore(%arg22 : memref<!tpu.dma_semaphore, #tpu.memory_space<semaphore_mem>>) src(%dma_wait3A_403 : memref<640xi32, #tpu.memory_space<hbm>>) dst(%dma_wait3A_402 : memref<640xi32, #tpu.memory_space<vmem>>)
    %dma_wait3A_404 = arith.constant 3 : i32
    %dma_wait3A_405 = arith.constant 0 : i32
    %dma_wait3A_406 = tpu.memref_slice %arg12[%dma_wait3A_404, %dma_wait3A_405] : memref<16x640xi32, #tpu.memory_space<vmem>> -> memref<1x640xi32, #tpu.memory_space<vmem>>
    %dma_wait3A_407 = tpu.memref_squeeze %dma_wait3A_406 : memref<1x640xi32, #tpu.memory_space<vmem>> -> memref<640xi32, #tpu.memory_space<vmem>>
    %dma_wait3A_408 = tpu.memref_slice %arg6[%add3A_163] : memref<327680xi32, #tpu.memory_space<hbm>> -> memref<640xi32, #tpu.memory_space<hbm>>
    %dma_wait3A_409 = arith.constant 0 : i32
    %dma_wait3A_410 = tpu.memref_slice %arg12[%dma_wait3A_404, %dma_wait3A_409] : memref<16x640xi32, #tpu.memory_space<vmem>> -> memref<1x640xi32, #tpu.memory_space<vmem>>
    %dma_wait3A_411 = tpu.memref_squeeze %dma_wait3A_410 : memref<1x640xi32, #tpu.memory_space<vmem>> -> memref<640xi32, #tpu.memory_space<vmem>>
    %dma_wait3A_412 = tpu.memref_slice %arg6[%add3A_163] : memref<327680xi32, #tpu.memory_space<hbm>> -> memref<640xi32, #tpu.memory_space<hbm>>
    tpu.wait_dma2 semaphore(%arg22 : memref<!tpu.dma_semaphore, #tpu.memory_space<semaphore_mem>>) src(%dma_wait3A_412 : memref<640xi32, #tpu.memory_space<hbm>>) dst(%dma_wait3A_411 : memref<640xi32, #tpu.memory_space<vmem>>)
    %dma_wait3A_413 = arith.constant 4 : i32
    %dma_wait3A_414 = arith.constant 0 : i32
    %dma_wait3A_415 = tpu.memref_slice %arg12[%dma_wait3A_413, %dma_wait3A_414] : memref<16x640xi32, #tpu.memory_space<vmem>> -> memref<1x640xi32, #tpu.memory_space<vmem>>
    %dma_wait3A_416 = tpu.memref_squeeze %dma_wait3A_415 : memref<1x640xi32, #tpu.memory_space<vmem>> -> memref<640xi32, #tpu.memory_space<vmem>>
    %dma_wait3A_417 = tpu.memref_slice %arg6[%add3A_180] : memref<327680xi32, #tpu.memory_space<hbm>> -> memref<640xi32, #tpu.memory_space<hbm>>
    %dma_wait3A_418 = arith.constant 0 : i32
    %dma_wait3A_419 = tpu.memref_slice %arg12[%dma_wait3A_413, %dma_wait3A_418] : memref<16x640xi32, #tpu.memory_space<vmem>> -> memref<1x640xi32, #tpu.memory_space<vmem>>
    %dma_wait3A_420 = tpu.memref_squeeze %dma_wait3A_419 : memref<1x640xi32, #tpu.memory_space<vmem>> -> memref<640xi32, #tpu.memory_space<vmem>>
    %dma_wait3A_421 = tpu.memref_slice %arg6[%add3A_180] : memref<327680xi32, #tpu.memory_space<hbm>> -> memref<640xi32, #tpu.memory_space<hbm>>
    tpu.wait_dma2 semaphore(%arg22 : memref<!tpu.dma_semaphore, #tpu.memory_space<semaphore_mem>>) src(%dma_wait3A_421 : memref<640xi32, #tpu.memory_space<hbm>>) dst(%dma_wait3A_420 : memref<640xi32, #tpu.memory_space<vmem>>)
    %dma_wait3A_422 = arith.constant 5 : i32
    %dma_wait3A_423 = arith.constant 0 : i32
    %dma_wait3A_424 = tpu.memref_slice %arg12[%dma_wait3A_422, %dma_wait3A_423] : memref<16x640xi32, #tpu.memory_space<vmem>> -> memref<1x640xi32, #tpu.memory_space<vmem>>
    %dma_wait3A_425 = tpu.memref_squeeze %dma_wait3A_424 : memref<1x640xi32, #tpu.memory_space<vmem>> -> memref<640xi32, #tpu.memory_space<vmem>>
    %dma_wait3A_426 = tpu.memref_slice %arg6[%add3A_197] : memref<327680xi32, #tpu.memory_space<hbm>> -> memref<640xi32, #tpu.memory_space<hbm>>
    %dma_wait3A_427 = arith.constant 0 : i32
    %dma_wait3A_428 = tpu.memref_slice %arg12[%dma_wait3A_422, %dma_wait3A_427] : memref<16x640xi32, #tpu.memory_space<vmem>> -> memref<1x640xi32, #tpu.memory_space<vmem>>
    %dma_wait3A_429 = tpu.memref_squeeze %dma_wait3A_428 : memref<1x640xi32, #tpu.memory_space<vmem>> -> memref<640xi32, #tpu.memory_space<vmem>>
    %dma_wait3A_430 = tpu.memref_slice %arg6[%add3A_197] : memref<327680xi32, #tpu.memory_space<hbm>> -> memref<640xi32, #tpu.memory_space<hbm>>
    tpu.wait_dma2 semaphore(%arg22 : memref<!tpu.dma_semaphore, #tpu.memory_space<semaphore_mem>>) src(%dma_wait3A_430 : memref<640xi32, #tpu.memory_space<hbm>>) dst(%dma_wait3A_429 : memref<640xi32, #tpu.memory_space<vmem>>)
    %dma_wait3A_431 = arith.constant 6 : i32
    %dma_wait3A_432 = arith.constant 0 : i32
    %dma_wait3A_433 = tpu.memref_slice %arg12[%dma_wait3A_431, %dma_wait3A_432] : memref<16x640xi32, #tpu.memory_space<vmem>> -> memref<1x640xi32, #tpu.memory_space<vmem>>
    %dma_wait3A_434 = tpu.memref_squeeze %dma_wait3A_433 : memref<1x640xi32, #tpu.memory_space<vmem>> -> memref<640xi32, #tpu.memory_space<vmem>>
    %dma_wait3A_435 = tpu.memref_slice %arg6[%add3A_214] : memref<327680xi32, #tpu.memory_space<hbm>> -> memref<640xi32, #tpu.memory_space<hbm>>
    %dma_wait3A_436 = arith.constant 0 : i32
    %dma_wait3A_437 = tpu.memref_slice %arg12[%dma_wait3A_431, %dma_wait3A_436] : memref<16x640xi32, #tpu.memory_space<vmem>> -> memref<1x640xi32, #tpu.memory_space<vmem>>
    %dma_wait3A_438 = tpu.memref_squeeze %dma_wait3A_437 : memref<1x640xi32, #tpu.memory_space<vmem>> -> memref<640xi32, #tpu.memory_space<vmem>>
    %dma_wait3A_439 = tpu.memref_slice %arg6[%add3A_214] : memref<327680xi32, #tpu.memory_space<hbm>> -> memref<640xi32, #tpu.memory_space<hbm>>
    tpu.wait_dma2 semaphore(%arg22 : memref<!tpu.dma_semaphore, #tpu.memory_space<semaphore_mem>>) src(%dma_wait3A_439 : memref<640xi32, #tpu.memory_space<hbm>>) dst(%dma_wait3A_438 : memref<640xi32, #tpu.memory_space<vmem>>)
    %dma_wait3A_440 = arith.constant 7 : i32
    %dma_wait3A_441 = arith.constant 0 : i32
    %dma_wait3A_442 = tpu.memref_slice %arg12[%dma_wait3A_440, %dma_wait3A_441] : memref<16x640xi32, #tpu.memory_space<vmem>> -> memref<1x640xi32, #tpu.memory_space<vmem>>
    %dma_wait3A_443 = tpu.memref_squeeze %dma_wait3A_442 : memref<1x640xi32, #tpu.memory_space<vmem>> -> memref<640xi32, #tpu.memory_space<vmem>>
    %dma_wait3A_444 = tpu.memref_slice %arg6[%add3A_231] : memref<327680xi32, #tpu.memory_space<hbm>> -> memref<640xi32, #tpu.memory_space<hbm>>
    %dma_wait3A_445 = arith.constant 0 : i32
    %dma_wait3A_446 = tpu.memref_slice %arg12[%dma_wait3A_440, %dma_wait3A_445] : memref<16x640xi32, #tpu.memory_space<vmem>> -> memref<1x640xi32, #tpu.memory_space<vmem>>
    %dma_wait3A_447 = tpu.memref_squeeze %dma_wait3A_446 : memref<1x640xi32, #tpu.memory_space<vmem>> -> memref<640xi32, #tpu.memory_space<vmem>>
    %dma_wait3A_448 = tpu.memref_slice %arg6[%add3A_231] : memref<327680xi32, #tpu.memory_space<hbm>> -> memref<640xi32, #tpu.memory_space<hbm>>
    tpu.wait_dma2 semaphore(%arg22 : memref<!tpu.dma_semaphore, #tpu.memory_space<semaphore_mem>>) src(%dma_wait3A_448 : memref<640xi32, #tpu.memory_space<hbm>>) dst(%dma_wait3A_447 : memref<640xi32, #tpu.memory_space<vmem>>)
    %dma_wait3A_449 = arith.constant 8 : i32
    %dma_wait3A_450 = arith.constant 0 : i32
    %dma_wait3A_451 = tpu.memref_slice %arg12[%dma_wait3A_449, %dma_wait3A_450] : memref<16x640xi32, #tpu.memory_space<vmem>> -> memref<1x640xi32, #tpu.memory_space<vmem>>
    %dma_wait3A_452 = tpu.memref_squeeze %dma_wait3A_451 : memref<1x640xi32, #tpu.memory_space<vmem>> -> memref<640xi32, #tpu.memory_space<vmem>>
    %dma_wait3A_453 = tpu.memref_slice %arg6[%add3A_248] : memref<327680xi32, #tpu.memory_space<hbm>> -> memref<640xi32, #tpu.memory_space<hbm>>
    %dma_wait3A_454 = arith.constant 0 : i32
    %dma_wait3A_455 = tpu.memref_slice %arg12[%dma_wait3A_449, %dma_wait3A_454] : memref<16x640xi32, #tpu.memory_space<vmem>> -> memref<1x640xi32, #tpu.memory_space<vmem>>
    %dma_wait3A_456 = tpu.memref_squeeze %dma_wait3A_455 : memref<1x640xi32, #tpu.memory_space<vmem>> -> memref<640xi32, #tpu.memory_space<vmem>>
    %dma_wait3A_457 = tpu.memref_slice %arg6[%add3A_248] : memref<327680xi32, #tpu.memory_space<hbm>> -> memref<640xi32, #tpu.memory_space<hbm>>
    tpu.wait_dma2 semaphore(%arg22 : memref<!tpu.dma_semaphore, #tpu.memory_space<semaphore_mem>>) src(%dma_wait3A_457 : memref<640xi32, #tpu.memory_space<hbm>>) dst(%dma_wait3A_456 : memref<640xi32, #tpu.memory_space<vmem>>)
    %dma_wait3A_458 = arith.constant 9 : i32
    %dma_wait3A_459 = arith.constant 0 : i32
    %dma_wait3A_460 = tpu.memref_slice %arg12[%dma_wait3A_458, %dma_wait3A_459] : memref<16x640xi32, #tpu.memory_space<vmem>> -> memref<1x640xi32, #tpu.memory_space<vmem>>
    %dma_wait3A_461 = tpu.memref_squeeze %dma_wait3A_460 : memref<1x640xi32, #tpu.memory_space<vmem>> -> memref<640xi32, #tpu.memory_space<vmem>>
    %dma_wait3A_462 = tpu.memref_slice %arg6[%add3A_265] : memref<327680xi32, #tpu.memory_space<hbm>> -> memref<640xi32, #tpu.memory_space<hbm>>
    %dma_wait3A_463 = arith.constant 0 : i32
    %dma_wait3A_464 = tpu.memref_slice %arg12[%dma_wait3A_458, %dma_wait3A_463] : memref<16x640xi32, #tpu.memory_space<vmem>> -> memref<1x640xi32, #tpu.memory_space<vmem>>
    %dma_wait3A_465 = tpu.memref_squeeze %dma_wait3A_464 : memref<1x640xi32, #tpu.memory_space<vmem>> -> memref<640xi32, #tpu.memory_space<vmem>>
    %dma_wait3A_466 = tpu.memref_slice %arg6[%add3A_265] : memref<327680xi32, #tpu.memory_space<hbm>> -> memref<640xi32, #tpu.memory_space<hbm>>
    tpu.wait_dma2 semaphore(%arg22 : memref<!tpu.dma_semaphore, #tpu.memory_space<semaphore_mem>>) src(%dma_wait3A_466 : memref<640xi32, #tpu.memory_space<hbm>>) dst(%dma_wait3A_465 : memref<640xi32, #tpu.memory_space<vmem>>)
    %dma_wait3A_467 = arith.constant 10 : i32
    %dma_wait3A_468 = arith.constant 0 : i32
    %dma_wait3A_469 = tpu.memref_slice %arg12[%dma_wait3A_467, %dma_wait3A_468] : memref<16x640xi32, #tpu.memory_space<vmem>> -> memref<1x640xi32, #tpu.memory_space<vmem>>
    %dma_wait3A_470 = tpu.memref_squeeze %dma_wait3A_469 : memref<1x640xi32, #tpu.memory_space<vmem>> -> memref<640xi32, #tpu.memory_space<vmem>>
    %dma_wait3A_471 = tpu.memref_slice %arg6[%add3A_282] : memref<327680xi32, #tpu.memory_space<hbm>> -> memref<640xi32, #tpu.memory_space<hbm>>
    %dma_wait3A_472 = arith.constant 0 : i32
    %dma_wait3A_473 = tpu.memref_slice %arg12[%dma_wait3A_467, %dma_wait3A_472] : memref<16x640xi32, #tpu.memory_space<vmem>> -> memref<1x640xi32, #tpu.memory_space<vmem>>
    %dma_wait3A_474 = tpu.memref_squeeze %dma_wait3A_473 : memref<1x640xi32, #tpu.memory_space<vmem>> -> memref<640xi32, #tpu.memory_space<vmem>>
    %dma_wait3A_475 = tpu.memref_slice %arg6[%add3A_282] : memref<327680xi32, #tpu.memory_space<hbm>> -> memref<640xi32, #tpu.memory_space<hbm>>
    tpu.wait_dma2 semaphore(%arg22 : memref<!tpu.dma_semaphore, #tpu.memory_space<semaphore_mem>>) src(%dma_wait3A_475 : memref<640xi32, #tpu.memory_space<hbm>>) dst(%dma_wait3A_474 : memref<640xi32, #tpu.memory_space<vmem>>)
    %dma_wait3A_476 = arith.constant 11 : i32
    %dma_wait3A_477 = arith.constant 0 : i32
    %dma_wait3A_478 = tpu.memref_slice %arg12[%dma_wait3A_476, %dma_wait3A_477] : memref<16x640xi32, #tpu.memory_space<vmem>> -> memref<1x640xi32, #tpu.memory_space<vmem>>
    %dma_wait3A_479 = tpu.memref_squeeze %dma_wait3A_478 : memref<1x640xi32, #tpu.memory_space<vmem>> -> memref<640xi32, #tpu.memory_space<vmem>>
    %dma_wait3A_480 = tpu.memref_slice %arg6[%add3A_299] : memref<327680xi32, #tpu.memory_space<hbm>> -> memref<640xi32, #tpu.memory_space<hbm>>
    %dma_wait3A_481 = arith.constant 0 : i32
    %dma_wait3A_482 = tpu.memref_slice %arg12[%dma_wait3A_476, %dma_wait3A_481] : memref<16x640xi32, #tpu.memory_space<vmem>> -> memref<1x640xi32, #tpu.memory_space<vmem>>
    %dma_wait3A_483 = tpu.memref_squeeze %dma_wait3A_482 : memref<1x640xi32, #tpu.memory_space<vmem>> -> memref<640xi32, #tpu.memory_space<vmem>>
    %dma_wait3A_484 = tpu.memref_slice %arg6[%add3A_299] : memref<327680xi32, #tpu.memory_space<hbm>> -> memref<640xi32, #tpu.memory_space<hbm>>
    tpu.wait_dma2 semaphore(%arg22 : memref<!tpu.dma_semaphore, #tpu.memory_space<semaphore_mem>>) src(%dma_wait3A_484 : memref<640xi32, #tpu.memory_space<hbm>>) dst(%dma_wait3A_483 : memref<640xi32, #tpu.memory_space<vmem>>)
    %dma_wait3A_485 = arith.constant 12 : i32
    %dma_wait3A_486 = arith.constant 0 : i32
    %dma_wait3A_487 = tpu.memref_slice %arg12[%dma_wait3A_485, %dma_wait3A_486] : memref<16x640xi32, #tpu.memory_space<vmem>> -> memref<1x640xi32, #tpu.memory_space<vmem>>
    %dma_wait3A_488 = tpu.memref_squeeze %dma_wait3A_487 : memref<1x640xi32, #tpu.memory_space<vmem>> -> memref<640xi32, #tpu.memory_space<vmem>>
    %dma_wait3A_489 = tpu.memref_slice %arg6[%add3A_316] : memref<327680xi32, #tpu.memory_space<hbm>> -> memref<640xi32, #tpu.memory_space<hbm>>
    %dma_wait3A_490 = arith.constant 0 : i32
    %dma_wait3A_491 = tpu.memref_slice %arg12[%dma_wait3A_485, %dma_wait3A_490] : memref<16x640xi32, #tpu.memory_space<vmem>> -> memref<1x640xi32, #tpu.memory_space<vmem>>
    %dma_wait3A_492 = tpu.memref_squeeze %dma_wait3A_491 : memref<1x640xi32, #tpu.memory_space<vmem>> -> memref<640xi32, #tpu.memory_space<vmem>>
    %dma_wait3A_493 = tpu.memref_slice %arg6[%add3A_316] : memref<327680xi32, #tpu.memory_space<hbm>> -> memref<640xi32, #tpu.memory_space<hbm>>
    tpu.wait_dma2 semaphore(%arg22 : memref<!tpu.dma_semaphore, #tpu.memory_space<semaphore_mem>>) src(%dma_wait3A_493 : memref<640xi32, #tpu.memory_space<hbm>>) dst(%dma_wait3A_492 : memref<640xi32, #tpu.memory_space<vmem>>)
    %dma_wait3A_494 = arith.constant 13 : i32
    %dma_wait3A_495 = arith.constant 0 : i32
    %dma_wait3A_496 = tpu.memref_slice %arg12[%dma_wait3A_494, %dma_wait3A_495] : memref<16x640xi32, #tpu.memory_space<vmem>> -> memref<1x640xi32, #tpu.memory_space<vmem>>
    %dma_wait3A_497 = tpu.memref_squeeze %dma_wait3A_496 : memref<1x640xi32, #tpu.memory_space<vmem>> -> memref<640xi32, #tpu.memory_space<vmem>>
    %dma_wait3A_498 = tpu.memref_slice %arg6[%add3A_333] : memref<327680xi32, #tpu.memory_space<hbm>> -> memref<640xi32, #tpu.memory_space<hbm>>
    %dma_wait3A_499 = arith.constant 0 : i32
    %dma_wait3A_500 = tpu.memref_slice %arg12[%dma_wait3A_494, %dma_wait3A_499] : memref<16x640xi32, #tpu.memory_space<vmem>> -> memref<1x640xi32, #tpu.memory_space<vmem>>
    %dma_wait3A_501 = tpu.memref_squeeze %dma_wait3A_500 : memref<1x640xi32, #tpu.memory_space<vmem>> -> memref<640xi32, #tpu.memory_space<vmem>>
    %dma_wait3A_502 = tpu.memref_slice %arg6[%add3A_333] : memref<327680xi32, #tpu.memory_space<hbm>> -> memref<640xi32, #tpu.memory_space<hbm>>
    tpu.wait_dma2 semaphore(%arg22 : memref<!tpu.dma_semaphore, #tpu.memory_space<semaphore_mem>>) src(%dma_wait3A_502 : memref<640xi32, #tpu.memory_space<hbm>>) dst(%dma_wait3A_501 : memref<640xi32, #tpu.memory_space<vmem>>)
    %dma_wait3A_503 = arith.constant 14 : i32
    %dma_wait3A_504 = arith.constant 0 : i32
    %dma_wait3A_505 = tpu.memref_slice %arg12[%dma_wait3A_503, %dma_wait3A_504] : memref<16x640xi32, #tpu.memory_space<vmem>> -> memref<1x640xi32, #tpu.memory_space<vmem>>
    %dma_wait3A_506 = tpu.memref_squeeze %dma_wait3A_505 : memref<1x640xi32, #tpu.memory_space<vmem>> -> memref<640xi32, #tpu.memory_space<vmem>>
    %dma_wait3A_507 = tpu.memref_slice %arg6[%add3A_350] : memref<327680xi32, #tpu.memory_space<hbm>> -> memref<640xi32, #tpu.memory_space<hbm>>
    %dma_wait3A_508 = arith.constant 0 : i32
    %dma_wait3A_509 = tpu.memref_slice %arg12[%dma_wait3A_503, %dma_wait3A_508] : memref<16x640xi32, #tpu.memory_space<vmem>> -> memref<1x640xi32, #tpu.memory_space<vmem>>
    %dma_wait3A_510 = tpu.memref_squeeze %dma_wait3A_509 : memref<1x640xi32, #tpu.memory_space<vmem>> -> memref<640xi32, #tpu.memory_space<vmem>>
    %dma_wait3A_511 = tpu.memref_slice %arg6[%add3A_350] : memref<327680xi32, #tpu.memory_space<hbm>> -> memref<640xi32, #tpu.memory_space<hbm>>
    tpu.wait_dma2 semaphore(%arg22 : memref<!tpu.dma_semaphore, #tpu.memory_space<semaphore_mem>>) src(%dma_wait3A_511 : memref<640xi32, #tpu.memory_space<hbm>>) dst(%dma_wait3A_510 : memref<640xi32, #tpu.memory_space<vmem>>)
    %dma_wait3A_512 = arith.constant 15 : i32
    %dma_wait3A_513 = arith.constant 0 : i32
    %dma_wait3A_514 = tpu.memref_slice %arg12[%dma_wait3A_512, %dma_wait3A_513] : memref<16x640xi32, #tpu.memory_space<vmem>> -> memref<1x640xi32, #tpu.memory_space<vmem>>
    %dma_wait3A_515 = tpu.memref_squeeze %dma_wait3A_514 : memref<1x640xi32, #tpu.memory_space<vmem>> -> memref<640xi32, #tpu.memory_space<vmem>>
    %dma_wait3A_516 = tpu.memref_slice %arg6[%add3A_367] : memref<327680xi32, #tpu.memory_space<hbm>> -> memref<640xi32, #tpu.memory_space<hbm>>
    %dma_wait3A_517 = arith.constant 0 : i32
    %dma_wait3A_518 = tpu.memref_slice %arg12[%dma_wait3A_512, %dma_wait3A_517] : memref<16x640xi32, #tpu.memory_space<vmem>> -> memref<1x640xi32, #tpu.memory_space<vmem>>
    %dma_wait3A_519 = tpu.memref_squeeze %dma_wait3A_518 : memref<1x640xi32, #tpu.memory_space<vmem>> -> memref<640xi32, #tpu.memory_space<vmem>>
    %dma_wait3A_520 = tpu.memref_slice %arg6[%add3A_367] : memref<327680xi32, #tpu.memory_space<hbm>> -> memref<640xi32, #tpu.memory_space<hbm>>
    tpu.wait_dma2 semaphore(%arg22 : memref<!tpu.dma_semaphore, #tpu.memory_space<semaphore_mem>>) src(%dma_wait3A_520 : memref<640xi32, #tpu.memory_space<hbm>>) dst(%dma_wait3A_519 : memref<640xi32, #tpu.memory_space<vmem>>)
    "tpu.trace_stop"() : () -> ()
    "tpu.trace_start"() <{level = 10 : i32, message = "ph_tab"}> : () -> ()
    %scan3A_521 = arith.constant 0 : i32
    %scan3A_522 = arith.constant 40 : i32
    %scan3A_523 = arith.addi %scan3A_521, %scan3A_522 : i32
    %scan3A_524 = arith.constant 1 : i32
    scf.for %scan3A_583 = %scan3A_521 to %scan3A_523 step %scan3A_524  : i32 {
      %mul3A_584 = arith.constant 1 : i32
      %mul3A_585 = arith.muli %scan3A_583, %mul3A_584 : i32
      %add3A_586 = arith.constant 0 : i32
      %add3A_587 = arith.addi %add3A_586, %mul3A_585 : i32
      %mul3A_588 = arith.constant 16 : i32
      %mul3A_589 = arith.muli %add3A_587, %mul3A_588 : i32
      %get3A = arith.constant 0 : i32
      %get3A_590 = arith.index_cast %get3A : i32 to index
      %get3A_591 = arith.index_cast %mul3A_589 : i32 to index
      %get3A_592 = tpu.vector_load %arg12[%get3A_590, %get3A_591] {strides = array<i32>} : memref<16x640xi32, #tpu.memory_space<vmem>>, vector<16xi32>,
      %get3A_593 = arith.constant 1 : i32
      %get3A_594 = arith.index_cast %get3A_593 : i32 to index
      %get3A_595 = arith.index_cast %mul3A_589 : i32 to index
      %get3A_596 = tpu.vector_load %arg12[%get3A_594, %get3A_595] {strides = array<i32>} : memref<16x640xi32, #tpu.memory_space<vmem>>, vector<16xi32>,
      %add3A_597 = arith.addi %get3A_592, %get3A_596 : vector<16xi32>
      %get3A_598 = arith.constant 2 : i32
      %get3A_599 = arith.index_cast %get3A_598 : i32 to index
      %get3A_600 = arith.index_cast %mul3A_589 : i32 to index
      %get3A_601 = tpu.vector_load %arg12[%get3A_599, %get3A_600] {strides = array<i32>} : memref<16x640xi32, #tpu.memory_space<vmem>>, vector<16xi32>,
      %add3A_602 = arith.addi %add3A_597, %get3A_601 : vector<16xi32>
      %get3A_603 = arith.constant 3 : i32
      %get3A_604 = arith.index_cast %get3A_603 : i32 to index
      %get3A_605 = arith.index_cast %mul3A_589 : i32 to index
      %get3A_606 = tpu.vector_load %arg12[%get3A_604, %get3A_605] {strides = array<i32>} : memref<16x640xi32, #tpu.memory_space<vmem>>, vector<16xi32>,
      %add3A_607 = arith.addi %add3A_602, %get3A_606 : vector<16xi32>
      %get3A_608 = arith.constant 4 : i32
      %get3A_609 = arith.index_cast %get3A_608 : i32 to index
      %get3A_610 = arith.index_cast %mul3A_589 : i32 to index
      %get3A_611 = tpu.vector_load %arg12[%get3A_609, %get3A_610] {strides = array<i32>} : memref<16x640xi32, #tpu.memory_space<vmem>>, vector<16xi32>,
      %add3A_612 = arith.addi %add3A_607, %get3A_611 : vector<16xi32>
      %get3A_613 = arith.constant 5 : i32
      %get3A_614 = arith.index_cast %get3A_613 : i32 to index
      %get3A_615 = arith.index_cast %mul3A_589 : i32 to index
      %get3A_616 = tpu.vector_load %arg12[%get3A_614, %get3A_615] {strides = array<i32>} : memref<16x640xi32, #tpu.memory_space<vmem>>, vector<16xi32>,
      %add3A_617 = arith.addi %add3A_612, %get3A_616 : vector<16xi32>
      %get3A_618 = arith.constant 6 : i32
      %get3A_619 = arith.index_cast %get3A_618 : i32 to index
      %get3A_620 = arith.index_cast %mul3A_589 : i32 to index
      %get3A_621 = tpu.vector_load %arg12[%get3A_619, %get3A_620] {strides = array<i32>} : memref<16x640xi32, #tpu.memory_space<vmem>>, vector<16xi32>,
      %add3A_622 = arith.addi %add3A_617, %get3A_621 : vector<16xi32>
      %get3A_623 = arith.constant 7 : i32
      %get3A_624 = arith.index_cast %get3A_623 : i32 to index
      %get3A_625 = arith.index_cast %mul3A_589 : i32 to index
      %get3A_626 = tpu.vector_load %arg12[%get3A_624, %get3A_625] {strides = array<i32>} : memref<16x640xi32, #tpu.memory_space<vmem>>, vector<16xi32>,
      %add3A_627 = arith.addi %add3A_622, %get3A_626 : vector<16xi32>
      %get3A_628 = arith.constant 8 : i32
      %get3A_629 = arith.index_cast %get3A_628 : i32 to index
      %get3A_630 = arith.index_cast %mul3A_589 : i32 to index
      %get3A_631 = tpu.vector_load %arg12[%get3A_629, %get3A_630] {strides = array<i32>} : memref<16x640xi32, #tpu.memory_space<vmem>>, vector<16xi32>,
      %add3A_632 = arith.addi %add3A_627, %get3A_631 : vector<16xi32>
      %get3A_633 = arith.constant 9 : i32
      %get3A_634 = arith.index_cast %get3A_633 : i32 to index
      %get3A_635 = arith.index_cast %mul3A_589 : i32 to index
      %get3A_636 = tpu.vector_load %arg12[%get3A_634, %get3A_635] {strides = array<i32>} : memref<16x640xi32, #tpu.memory_space<vmem>>, vector<16xi32>,
      %add3A_637 = arith.addi %add3A_632, %get3A_636 : vector<16xi32>
      %get3A_638 = arith.constant 10 : i32
      %get3A_639 = arith.index_cast %get3A_638 : i32 to index
      %get3A_640 = arith.index_cast %mul3A_589 : i32 to index
      %get3A_641 = tpu.vector_load %arg12[%get3A_639, %get3A_640] {strides = array<i32>} : memref<16x640xi32, #tpu.memory_space<vmem>>, vector<16xi32>,
      %add3A_642 = arith.addi %add3A_637, %get3A_641 : vector<16xi32>
      %get3A_643 = arith.constant 11 : i32
      %get3A_644 = arith.index_cast %get3A_643 : i32 to index
      %get3A_645 = arith.index_cast %mul3A_589 : i32 to index
      %get3A_646 = tpu.vector_load %arg12[%get3A_644, %get3A_645] {strides = array<i32>} : memref<16x640xi32, #tpu.memory_space<vmem>>, vector<16xi32>,
      %add3A_647 = arith.addi %add3A_642, %get3A_646 : vector<16xi32>
      %get3A_648 = arith.constant 12 : i32
      %get3A_649 = arith.index_cast %get3A_648 : i32 to index
      %get3A_650 = arith.index_cast %mul3A_589 : i32 to index
      %get3A_651 = tpu.vector_load %arg12[%get3A_649, %get3A_650] {strides = array<i32>} : memref<16x640xi32, #tpu.memory_space<vmem>>, vector<16xi32>,
      %add3A_652 = arith.addi %add3A_647, %get3A_651 : vector<16xi32>
      %get3A_653 = arith.constant 13 : i32
      %get3A_654 = arith.index_cast %get3A_653 : i32 to index
      %get3A_655 = arith.index_cast %mul3A_589 : i32 to index
      %get3A_656 = tpu.vector_load %arg12[%get3A_654, %get3A_655] {strides = array<i32>} : memref<16x640xi32, #tpu.memory_space<vmem>>, vector<16xi32>,
      %add3A_657 = arith.addi %add3A_652, %get3A_656 : vector<16xi32>
      %get3A_658 = arith.constant 14 : i32
      %get3A_659 = arith.index_cast %get3A_658 : i32 to index
      %get3A_660 = arith.index_cast %mul3A_589 : i32 to index
      %get3A_661 = tpu.vector_load %arg12[%get3A_659, %get3A_660] {strides = array<i32>} : memref<16x640xi32, #tpu.memory_space<vmem>>, vector<16xi32>,
      %add3A_662 = arith.addi %add3A_657, %get3A_661 : vector<16xi32>
      %get3A_663 = arith.constant 15 : i32
      %get3A_664 = arith.index_cast %get3A_663 : i32 to index
      %get3A_665 = arith.index_cast %mul3A_589 : i32 to index
      %get3A_666 = tpu.vector_load %arg12[%get3A_664, %get3A_665] {strides = array<i32>} : memref<16x640xi32, #tpu.memory_space<vmem>>, vector<16xi32>,
      %add3A_667 = arith.addi %add3A_662, %get3A_666 : vector<16xi32>
      %convert_element_type3A_668 = arith.sitofp %add3A_667 : vector<16xi32> to vector<16xf32>
      %add3A_669 = arith.constant 1.000000e+00 : f32
      %add3A_670 = vector.broadcast %add3A_669 : f32 to vector<16xf32>
      %add3A_671 = arith.addf %convert_element_type3A_668, %add3A_670 : vector<16xf32>
      %bitcast3A = vector.bitcast %add3A_671 : vector<16xf32> to vector<16xi32>
      %shift_right_arithmetic3A = arith.constant 1 : i32
      %shift_right_arithmetic3A_672 = vector.broadcast %shift_right_arithmetic3A : i32 to vector<16xi32>
      %shift_right_arithmetic3A_673 = arith.shrsi %bitcast3A, %shift_right_arithmetic3A_672 : vector<16xi32>
      %sub3A = arith.constant 1597463007 : i32
      %sub3A_674 = vector.broadcast %sub3A : i32 to vector<16xi32>
      %sub3A_675 = arith.subi %sub3A_674, %shift_right_arithmetic3A_673 : vector<16xi32>
      %bitcast3A_676 = vector.bitcast %sub3A_675 : vector<16xi32> to vector<16xf32>
      %mul3A_677 = arith.constant 5.000000e-01 : f32
      %mul3A_678 = vector.broadcast %mul3A_677 : f32 to vector<16xf32>
      %mul3A_679 = arith.mulf %mul3A_678, %add3A_671 : vector<16xf32>
      %mul3A_680 = arith.mulf %mul3A_679, %bitcast3A_676 : vector<16xf32>
      %mul3A_681 = arith.mulf %mul3A_680, %bitcast3A_676 : vector<16xf32>
      %sub3A_682 = arith.constant 1.500000e+00 : f32
      %sub3A_683 = vector.broadcast %sub3A_682 : f32 to vector<16xf32>
      %sub3A_684 = arith.subf %sub3A_683, %mul3A_681 : vector<16xf32>
      %mul3A_685 = arith.mulf %bitcast3A_676, %sub3A_684 : vector<16xf32>
      %mul3A_686 = arith.constant 5.000000e-01 : f32
      %mul3A_687 = vector.broadcast %mul3A_686 : f32 to vector<16xf32>
      %mul3A_688 = arith.mulf %mul3A_687, %add3A_671 : vector<16xf32>
      %mul3A_689 = arith.mulf %mul3A_688, %mul3A_685 : vector<16xf32>
      %mul3A_690 = arith.mulf %mul3A_689, %mul3A_685 : vector<16xf32>
      %sub3A_691 = arith.constant 1.500000e+00 : f32
      %sub3A_692 = vector.broadcast %sub3A_691 : f32 to vector<16xf32>
      %sub3A_693 = arith.subf %sub3A_692, %mul3A_690 : vector<16xf32>
      %mul3A_694 = arith.mulf %mul3A_685, %sub3A_693 : vector<16xf32>
      %mul3A_695 = arith.constant 5.000000e-01 : f32
      %mul3A_696 = vector.broadcast %mul3A_695 : f32 to vector<16xf32>
      %mul3A_697 = arith.mulf %mul3A_696, %add3A_671 : vector<16xf32>
      %mul3A_698 = arith.mulf %mul3A_697, %mul3A_694 : vector<16xf32>
      %mul3A_699 = arith.mulf %mul3A_698, %mul3A_694 : vector<16xf32>
      %sub3A_700 = arith.constant 1.500000e+00 : f32
      %sub3A_701 = vector.broadcast %sub3A_700 : f32 to vector<16xf32>
      %sub3A_702 = arith.subf %sub3A_701, %mul3A_699 : vector<16xf32>
      %mul3A_703 = arith.mulf %mul3A_694, %sub3A_702 : vector<16xf32>
      %get3A_704 = arith.index_cast %mul3A_589 : i32 to index
      %get3A_705 = tpu.vector_load %arg13[%get3A_704] {strides = array<i32>} : memref<640xf32, #tpu.memory_space<vmem>>, vector<16xf32>,
      %mul3A_706 = arith.mulf %get3A_705, %mul3A_703 : vector<16xf32>
      %swap3A = arith.index_cast %mul3A_589 : i32 to index
      %swap3A_707 = tpu.vector_load %arg15[%swap3A] {strides = array<i32>} : memref<640xf32, #tpu.memory_space<vmem>>, vector<16xf32>,
      tpu.vector_store %arg15[%swap3A], %mul3A_706 {strides = array<i32>} : memref<640xf32, #tpu.memory_space<vmem>>, vector<16xf32>,
      %bitcast3A_708 = vector.bitcast %mul3A_703 : vector<16xf32> to vector<16xi32>
      %and3A = arith.constant -1024 : i32
      %and3A_709 = vector.broadcast %and3A : i32 to vector<16xi32>
      %and3A_710 = arith.andi %bitcast3A_708, %and3A_709 : vector<16xi32>
      %get3A_711 = arith.index_cast %mul3A_589 : i32 to index
      %get3A_712 = tpu.vector_load %arg14[%get3A_711] {strides = array<i32>} : memref<640xi32, #tpu.memory_space<vmem>>, vector<16xi32>,
      %shift_left3A = arith.constant 4 : i32
      %shift_left3A_713 = vector.broadcast %shift_left3A : i32 to vector<16xi32>
      %shift_left3A_714 = arith.shli %get3A_712, %shift_left3A_713 : vector<16xi32>
      %or3A = arith.ori %and3A_710, %shift_left3A_714 : vector<16xi32>
      %swap3A_715 = arith.index_cast %mul3A_589 : i32 to index
      %swap3A_716 = tpu.vector_load %arg16[%swap3A_715] {strides = array<i32>} : memref<640xi32, #tpu.memory_space<vmem>>, vector<16xi32>,
      tpu.vector_store %arg16[%swap3A_715], %or3A {strides = array<i32>} : memref<640xi32, #tpu.memory_space<vmem>>, vector<16xi32>,
    }
    %scan3A_525 = arith.constant 40 : i32
    "tpu.region"() ({
      %run_scoped3A = tpu.sem_alloc : memref<!tpu.dma_semaphore, #tpu.memory_space<semaphore_mem>>
      %dma_start3A_583 = tpu.memref_slice %arg7[%multiple_of3A_67] : memref<10240xf32, #tpu.memory_space<hbm>> -> memref<640xf32, #tpu.memory_space<hbm>>
      %dma_start3A_584 = tpu.memref_slice %arg7[%multiple_of3A_67] : memref<10240xf32, #tpu.memory_space<hbm>> -> memref<640xf32, #tpu.memory_space<hbm>>
      tpu.enqueue_dma source(%arg15 : memref<640xf32, #tpu.memory_space<vmem>>) target(%dma_start3A_584 : memref<640xf32, #tpu.memory_space<hbm>>) target_semaphore(%run_scoped3A : memref<!tpu.dma_semaphore, #tpu.memory_space<semaphore_mem>>)
      %dma_wait3A_585 = tpu.memref_slice %arg7[%multiple_of3A_67] : memref<10240xf32, #tpu.memory_space<hbm>> -> memref<640xf32, #tpu.memory_space<hbm>>
      %dma_wait3A_586 = tpu.memref_slice %arg7[%multiple_of3A_67] : memref<10240xf32, #tpu.memory_space<hbm>> -> memref<640xf32, #tpu.memory_space<hbm>>
      tpu.wait_dma2 semaphore(%run_scoped3A : memref<!tpu.dma_semaphore, #tpu.memory_space<semaphore_mem>>) src(%arg15 : memref<640xf32, #tpu.memory_space<vmem>>) dst(%dma_wait3A_586 : memref<640xf32, #tpu.memory_space<hbm>>)
      tpu.yield
    }) : () -> ()
    "tpu.region"() ({
      %run_scoped3A = tpu.sem_alloc : memref<!tpu.dma_semaphore, #tpu.memory_space<semaphore_mem>>
      %dma_start3A_583 = tpu.memref_slice %arg8[%multiple_of3A_67] : memref<10240xi32, #tpu.memory_space<hbm>> -> memref<640xi32, #tpu.memory_space<hbm>>
      %dma_start3A_584 = tpu.memref_slice %arg8[%multiple_of3A_67] : memref<10240xi32, #tpu.memory_space<hbm>> -> memref<640xi32, #tpu.memory_space<hbm>>
      tpu.enqueue_dma source(%arg16 : memref<640xi32, #tpu.memory_space<vmem>>) target(%dma_start3A_584 : memref<640xi32, #tpu.memory_space<hbm>>) target_semaphore(%run_scoped3A : memref<!tpu.dma_semaphore, #tpu.memory_space<semaphore_mem>>)
      %dma_wait3A_585 = tpu.memref_slice %arg8[%multiple_of3A_67] : memref<10240xi32, #tpu.memory_space<hbm>> -> memref<640xi32, #tpu.memory_space<hbm>>
      %dma_wait3A_586 = tpu.memref_slice %arg8[%multiple_of3A_67] : memref<10240xi32, #tpu.memory_space<hbm>> -> memref<640xi32, #tpu.memory_space<hbm>>
      tpu.wait_dma2 semaphore(%run_scoped3A : memref<!tpu.dma_semaphore, #tpu.memory_space<semaphore_mem>>) src(%arg16 : memref<640xi32, #tpu.memory_space<vmem>>) dst(%dma_wait3A_586 : memref<640xi32, #tpu.memory_space<hbm>>)
      tpu.yield
    }) : () -> ()
    %barrier3A_526 = arith.constant 0 : index
    tpu.barrier barrier_id(%barrier3A_526)
    "tpu.trace_stop"() : () -> ()
    "tpu.trace_start"() <{level = 10 : i32, message = "ph_fan"}> : () -> ()
    tpu.enqueue_dma source(%arg7 : memref<10240xf32, #tpu.memory_space<hbm>>) target(%arg17 : memref<10240xf32, #tpu.memory_space<vmem>>) target_semaphore(%arg20 : memref<!tpu.dma_semaphore, #tpu.memory_space<semaphore_mem>>)
    tpu.enqueue_dma source(%arg8 : memref<10240xi32, #tpu.memory_space<hbm>>) target(%arg18 : memref<10240xi32, #tpu.memory_space<vmem>>) target_semaphore(%arg21 : memref<!tpu.dma_semaphore, #tpu.memory_space<semaphore_mem>>)
    %broadcast_in_dim3A_527 = arith.constant 0.000000e+00 : f32
    %broadcast_in_dim3A_528 = vector.broadcast %broadcast_in_dim3A_527 : f32 to vector<16xf32>
    %scan3A_529 = arith.constant 0 : i32
    %scan3A_530 = arith.constant 64 : i32
    %scan3A_531 = arith.addi %scan3A_529, %scan3A_530 : i32
    %scan3A_532 = arith.constant 1 : i32
    scf.for %scan3A_583 = %scan3A_529 to %scan3A_531 step %scan3A_532  : i32 {
      %mul3A_584 = arith.constant 1 : i32
      %mul3A_585 = arith.muli %scan3A_583, %mul3A_584 : i32
      %add3A_586 = arith.constant 0 : i32
      %add3A_587 = arith.addi %add3A_586, %mul3A_585 : i32
      %mul3A_588 = arith.constant 16 : i32
      %mul3A_589 = arith.muli %add3A_587, %mul3A_588 : i32
      %swap3A = arith.index_cast %mul3A_589 : i32 to index
      %swap3A_590 = tpu.vector_load %arg19[%swap3A] {strides = array<i32>} : memref<1024xf32, #tpu.memory_space<vmem>>, vector<16xf32>,
      tpu.vector_store %arg19[%swap3A], %broadcast_in_dim3A_528 {strides = array<i32>} : memref<1024xf32, #tpu.memory_space<vmem>>, vector<16xf32>,
    }
    %scan3A_533 = arith.constant 64 : i32
    %dma_wait3A_534 = arith.constant 0 : i32
    %dma_wait3A_535 = arith.constant 0 : i32
    %dma_wait3A_536 = tpu.memref_slice %arg9[%dma_wait3A_534, %dma_wait3A_535] : memref<2x10112xi32, #tpu.memory_space<vmem>> -> memref<2x9984xi32, #tpu.memory_space<vmem>>
    %dma_wait3A_537 = arith.constant 0 : i32
    %dma_wait3A_538 = tpu.memref_slice %arg2[%dma_wait3A_537, %multiple_of3A] : memref<2x320000xi32, #tpu.memory_space<hbm>> -> memref<2x9984xi32, #tpu.memory_space<hbm>>
    %dma_wait3A_539 = arith.constant 0 : i32
    %dma_wait3A_540 = arith.constant 0 : i32
    %dma_wait3A_541 = tpu.memref_slice %arg9[%dma_wait3A_539, %dma_wait3A_540] : memref<2x10112xi32, #tpu.memory_space<vmem>> -> memref<2x9984xi32, #tpu.memory_space<vmem>>
    %dma_wait3A_542 = arith.constant 0 : i32
    %dma_wait3A_543 = tpu.memref_slice %arg2[%dma_wait3A_542, %multiple_of3A] : memref<2x320000xi32, #tpu.memory_space<hbm>> -> memref<2x9984xi32, #tpu.memory_space<hbm>>
    tpu.wait_dma2 semaphore(%arg20 : memref<!tpu.dma_semaphore, #tpu.memory_space<semaphore_mem>>) src(%dma_wait3A_543 : memref<2x9984xi32, #tpu.memory_space<hbm>>) dst(%dma_wait3A_541 : memref<2x9984xi32, #tpu.memory_space<vmem>>)
    %dma_wait3A_544 = arith.constant 0 : i32
    %dma_wait3A_545 = arith.constant 9984 : i32
    %dma_wait3A_546 = tpu.memref_slice %arg9[%dma_wait3A_544, %dma_wait3A_545] : memref<2x10112xi32, #tpu.memory_space<vmem>> -> memref<2x128xi32, #tpu.memory_space<vmem>>
    %dma_wait3A_547 = arith.constant 0 : i32
    %dma_wait3A_548 = tpu.memref_slice %arg2[%dma_wait3A_547, %multiple_of3A_19] : memref<2x320000xi32, #tpu.memory_space<hbm>> -> memref<2x128xi32, #tpu.memory_space<hbm>>
    %dma_wait3A_549 = arith.constant 0 : i32
    %dma_wait3A_550 = arith.constant 9984 : i32
    %dma_wait3A_551 = tpu.memref_slice %arg9[%dma_wait3A_549, %dma_wait3A_550] : memref<2x10112xi32, #tpu.memory_space<vmem>> -> memref<2x128xi32, #tpu.memory_space<vmem>>
    %dma_wait3A_552 = arith.constant 0 : i32
    %dma_wait3A_553 = tpu.memref_slice %arg2[%dma_wait3A_552, %multiple_of3A_19] : memref<2x320000xi32, #tpu.memory_space<hbm>> -> memref<2x128xi32, #tpu.memory_space<hbm>>
    tpu.wait_dma2 semaphore(%arg20 : memref<!tpu.dma_semaphore, #tpu.memory_space<semaphore_mem>>) src(%dma_wait3A_553 : memref<2x128xi32, #tpu.memory_space<hbm>>) dst(%dma_wait3A_551 : memref<2x128xi32, #tpu.memory_space<vmem>>)
    tpu.wait_dma2 semaphore(%arg20 : memref<!tpu.dma_semaphore, #tpu.memory_space<semaphore_mem>>) src(%arg7 : memref<10240xf32, #tpu.memory_space<hbm>>) dst(%arg17 : memref<10240xf32, #tpu.memory_space<vmem>>)
    tpu.wait_dma2 semaphore(%arg21 : memref<!tpu.dma_semaphore, #tpu.memory_space<semaphore_mem>>) src(%arg8 : memref<10240xi32, #tpu.memory_space<hbm>>) dst(%arg18 : memref<10240xi32, #tpu.memory_space<vmem>>)
    "tpu.trace_stop"() : () -> ()
    %iota3A = tpu.iota {dimensions = array<i32: 0>} : vector<16xi32>
    "tpu.trace_start"() <{level = 10 : i32, message = "ph_edge"}> : () -> ()
    %scan3A_554 = arith.constant -1024 : i32
    %scan3A_555 = arith.constant 1008 : i32
    %scan3A_556 = arith.constant 0 : i32
    %scan3A_557 = arith.constant 624 : i32
    %scan3A_558 = arith.addi %scan3A_556, %scan3A_557 : i32
    %scan3A_559 = arith.constant 8 : i32
    scf.for %scan3A_583 = %scan3A_556 to %scan3A_558 step %scan3A_559  : i32 {
      %mul3A_584 = arith.constant 1 : i32
      %mul3A_585 = arith.muli %scan3A_583, %mul3A_584 : i32
      %add3A_586 = arith.constant 0 : i32
      %add3A_587 = arith.addi %add3A_586, %mul3A_585 : i32
      %mul3A_588 = arith.constant 16 : i32
      %mul3A_589 = arith.muli %add3A_587, %mul3A_588 : i32
      %get3A = arith.constant 0 : i32
      %get3A_590 = arith.index_cast %get3A : i32 to index
      %get3A_591 = arith.index_cast %mul3A_589 : i32 to index
      %get3A_592 = tpu.vector_load %arg9[%get3A_590, %get3A_591] {strides = array<i32>} : memref<2x10112xi32, #tpu.memory_space<vmem>>, vector<16xi32>,
      %get3A_593 = arith.constant 1 : i32
      %get3A_594 = arith.index_cast %get3A_593 : i32 to index
      %get3A_595 = arith.index_cast %mul3A_589 : i32 to index
      %get3A_596 = tpu.vector_load %arg9[%get3A_594, %get3A_595] {strides = array<i32>} : memref<2x10112xi32, #tpu.memory_space<vmem>>, vector<16xi32>,
      %gather3A = tpu.vector_load_idx %arg17[%get3A_592] : memref<10240xf32, #tpu.memory_space<vmem>>[vector<16xi32>], vector<16xf32>,
      %gather3A_597 = tpu.vector_load_idx %arg18[%get3A_596] : memref<10240xi32, #tpu.memory_space<vmem>>[vector<16xi32>], vector<16xi32>,
      %and3A = vector.broadcast %scan3A_554 : i32 to vector<16xi32>
      %and3A_598 = arith.andi %gather3A_597, %and3A : vector<16xi32>
      %bitcast3A = vector.bitcast %and3A_598 : vector<16xi32> to vector<16xf32>
      %and3A_599 = vector.broadcast %scan3A_555 : i32 to vector<16xi32>
      %and3A_600 = arith.andi %gather3A_597, %and3A_599 : vector<16xi32>
      %add3A_601 = arith.addi %and3A_600, %iota3A : vector<16xi32>
      %mul3A_602 = arith.mulf %gather3A, %bitcast3A : vector<16xf32>
      tpu.vector_store_idx %arg19[%add3A_601], %mul3A_602 {add = true} : memref<1024xf32, #tpu.memory_space<vmem>>[vector<16xi32>], vector<16xf32>,
      %scan3A_603 = arith.constant 1 : i32
      %scan3A_604 = arith.addi %scan3A_583, %scan3A_603 : i32
      %mul3A_605 = arith.constant 1 : i32
      %mul3A_606 = arith.muli %scan3A_604, %mul3A_605 : i32
      %add3A_607 = arith.constant 0 : i32
      %add3A_608 = arith.addi %add3A_607, %mul3A_606 : i32
      %mul3A_609 = arith.constant 16 : i32
      %mul3A_610 = arith.muli %add3A_608, %mul3A_609 : i32
      %get3A_611 = arith.constant 0 : i32
      %get3A_612 = arith.index_cast %get3A_611 : i32 to index
      %get3A_613 = arith.index_cast %mul3A_610 : i32 to index
      %get3A_614 = tpu.vector_load %arg9[%get3A_612, %get3A_613] {strides = array<i32>} : memref<2x10112xi32, #tpu.memory_space<vmem>>, vector<16xi32>,
      %get3A_615 = arith.constant 1 : i32
      %get3A_616 = arith.index_cast %get3A_615 : i32 to index
      %get3A_617 = arith.index_cast %mul3A_610 : i32 to index
      %get3A_618 = tpu.vector_load %arg9[%get3A_616, %get3A_617] {strides = array<i32>} : memref<2x10112xi32, #tpu.memory_space<vmem>>, vector<16xi32>,
      %gather3A_619 = tpu.vector_load_idx %arg17[%get3A_614] : memref<10240xf32, #tpu.memory_space<vmem>>[vector<16xi32>], vector<16xf32>,
      %gather3A_620 = tpu.vector_load_idx %arg18[%get3A_618] : memref<10240xi32, #tpu.memory_space<vmem>>[vector<16xi32>], vector<16xi32>,
      %and3A_621 = vector.broadcast %scan3A_554 : i32 to vector<16xi32>
      %and3A_622 = arith.andi %gather3A_620, %and3A_621 : vector<16xi32>
      %bitcast3A_623 = vector.bitcast %and3A_622 : vector<16xi32> to vector<16xf32>
      %and3A_624 = vector.broadcast %scan3A_555 : i32 to vector<16xi32>
      %and3A_625 = arith.andi %gather3A_620, %and3A_624 : vector<16xi32>
      %add3A_626 = arith.addi %and3A_625, %iota3A : vector<16xi32>
      %mul3A_627 = arith.mulf %gather3A_619, %bitcast3A_623 : vector<16xf32>
      tpu.vector_store_idx %arg19[%add3A_626], %mul3A_627 {add = true} : memref<1024xf32, #tpu.memory_space<vmem>>[vector<16xi32>], vector<16xf32>,
      %scan3A_628 = arith.constant 2 : i32
      %scan3A_629 = arith.addi %scan3A_583, %scan3A_628 : i32
      %mul3A_630 = arith.constant 1 : i32
      %mul3A_631 = arith.muli %scan3A_629, %mul3A_630 : i32
      %add3A_632 = arith.constant 0 : i32
      %add3A_633 = arith.addi %add3A_632, %mul3A_631 : i32
      %mul3A_634 = arith.constant 16 : i32
      %mul3A_635 = arith.muli %add3A_633, %mul3A_634 : i32
      %get3A_636 = arith.constant 0 : i32
      %get3A_637 = arith.index_cast %get3A_636 : i32 to index
      %get3A_638 = arith.index_cast %mul3A_635 : i32 to index
      %get3A_639 = tpu.vector_load %arg9[%get3A_637, %get3A_638] {strides = array<i32>} : memref<2x10112xi32, #tpu.memory_space<vmem>>, vector<16xi32>,
      %get3A_640 = arith.constant 1 : i32
      %get3A_641 = arith.index_cast %get3A_640 : i32 to index
      %get3A_642 = arith.index_cast %mul3A_635 : i32 to index
      %get3A_643 = tpu.vector_load %arg9[%get3A_641, %get3A_642] {strides = array<i32>} : memref<2x10112xi32, #tpu.memory_space<vmem>>, vector<16xi32>,
      %gather3A_644 = tpu.vector_load_idx %arg17[%get3A_639] : memref<10240xf32, #tpu.memory_space<vmem>>[vector<16xi32>], vector<16xf32>,
      %gather3A_645 = tpu.vector_load_idx %arg18[%get3A_643] : memref<10240xi32, #tpu.memory_space<vmem>>[vector<16xi32>], vector<16xi32>,
      %and3A_646 = vector.broadcast %scan3A_554 : i32 to vector<16xi32>
      %and3A_647 = arith.andi %gather3A_645, %and3A_646 : vector<16xi32>
      %bitcast3A_648 = vector.bitcast %and3A_647 : vector<16xi32> to vector<16xf32>
      %and3A_649 = vector.broadcast %scan3A_555 : i32 to vector<16xi32>
      %and3A_650 = arith.andi %gather3A_645, %and3A_649 : vector<16xi32>
      %add3A_651 = arith.addi %and3A_650, %iota3A : vector<16xi32>
      %mul3A_652 = arith.mulf %gather3A_644, %bitcast3A_648 : vector<16xf32>
      tpu.vector_store_idx %arg19[%add3A_651], %mul3A_652 {add = true} : memref<1024xf32, #tpu.memory_space<vmem>>[vector<16xi32>], vector<16xf32>,
      %scan3A_653 = arith.constant 3 : i32
      %scan3A_654 = arith.addi %scan3A_583, %scan3A_653 : i32
      %mul3A_655 = arith.constant 1 : i32
      %mul3A_656 = arith.muli %scan3A_654, %mul3A_655 : i32
      %add3A_657 = arith.constant 0 : i32
      %add3A_658 = arith.addi %add3A_657, %mul3A_656 : i32
      %mul3A_659 = arith.constant 16 : i32
      %mul3A_660 = arith.muli %add3A_658, %mul3A_659 : i32
      %get3A_661 = arith.constant 0 : i32
      %get3A_662 = arith.index_cast %get3A_661 : i32 to index
      %get3A_663 = arith.index_cast %mul3A_660 : i32 to index
      %get3A_664 = tpu.vector_load %arg9[%get3A_662, %get3A_663] {strides = array<i32>} : memref<2x10112xi32, #tpu.memory_space<vmem>>, vector<16xi32>,
      %get3A_665 = arith.constant 1 : i32
      %get3A_666 = arith.index_cast %get3A_665 : i32 to index
      %get3A_667 = arith.index_cast %mul3A_660 : i32 to index
      %get3A_668 = tpu.vector_load %arg9[%get3A_666, %get3A_667] {strides = array<i32>} : memref<2x10112xi32, #tpu.memory_space<vmem>>, vector<16xi32>,
      %gather3A_669 = tpu.vector_load_idx %arg17[%get3A_664] : memref<10240xf32, #tpu.memory_space<vmem>>[vector<16xi32>], vector<16xf32>,
      %gather3A_670 = tpu.vector_load_idx %arg18[%get3A_668] : memref<10240xi32, #tpu.memory_space<vmem>>[vector<16xi32>], vector<16xi32>,
      %and3A_671 = vector.broadcast %scan3A_554 : i32 to vector<16xi32>
      %and3A_672 = arith.andi %gather3A_670, %and3A_671 : vector<16xi32>
      %bitcast3A_673 = vector.bitcast %and3A_672 : vector<16xi32> to vector<16xf32>
      %and3A_674 = vector.broadcast %scan3A_555 : i32 to vector<16xi32>
      %and3A_675 = arith.andi %gather3A_670, %and3A_674 : vector<16xi32>
      %add3A_676 = arith.addi %and3A_675, %iota3A : vector<16xi32>
      %mul3A_677 = arith.mulf %gather3A_669, %bitcast3A_673 : vector<16xf32>
      tpu.vector_store_idx %arg19[%add3A_676], %mul3A_677 {add = true} : memref<1024xf32, #tpu.memory_space<vmem>>[vector<16xi32>], vector<16xf32>,
      %scan3A_678 = arith.constant 4 : i32
      %scan3A_679 = arith.addi %scan3A_583, %scan3A_678 : i32
      %mul3A_680 = arith.constant 1 : i32
      %mul3A_681 = arith.muli %scan3A_679, %mul3A_680 : i32
      %add3A_682 = arith.constant 0 : i32
      %add3A_683 = arith.addi %add3A_682, %mul3A_681 : i32
      %mul3A_684 = arith.constant 16 : i32
      %mul3A_685 = arith.muli %add3A_683, %mul3A_684 : i32
      %get3A_686 = arith.constant 0 : i32
      %get3A_687 = arith.index_cast %get3A_686 : i32 to index
      %get3A_688 = arith.index_cast %mul3A_685 : i32 to index
      %get3A_689 = tpu.vector_load %arg9[%get3A_687, %get3A_688] {strides = array<i32>} : memref<2x10112xi32, #tpu.memory_space<vmem>>, vector<16xi32>,
      %get3A_690 = arith.constant 1 : i32
      %get3A_691 = arith.index_cast %get3A_690 : i32 to index
      %get3A_692 = arith.index_cast %mul3A_685 : i32 to index
      %get3A_693 = tpu.vector_load %arg9[%get3A_691, %get3A_692] {strides = array<i32>} : memref<2x10112xi32, #tpu.memory_space<vmem>>, vector<16xi32>,
      %gather3A_694 = tpu.vector_load_idx %arg17[%get3A_689] : memref<10240xf32, #tpu.memory_space<vmem>>[vector<16xi32>], vector<16xf32>,
      %gather3A_695 = tpu.vector_load_idx %arg18[%get3A_693] : memref<10240xi32, #tpu.memory_space<vmem>>[vector<16xi32>], vector<16xi32>,
      %and3A_696 = vector.broadcast %scan3A_554 : i32 to vector<16xi32>
      %and3A_697 = arith.andi %gather3A_695, %and3A_696 : vector<16xi32>
      %bitcast3A_698 = vector.bitcast %and3A_697 : vector<16xi32> to vector<16xf32>
      %and3A_699 = vector.broadcast %scan3A_555 : i32 to vector<16xi32>
      %and3A_700 = arith.andi %gather3A_695, %and3A_699 : vector<16xi32>
      %add3A_701 = arith.addi %and3A_700, %iota3A : vector<16xi32>
      %mul3A_702 = arith.mulf %gather3A_694, %bitcast3A_698 : vector<16xf32>
      tpu.vector_store_idx %arg19[%add3A_701], %mul3A_702 {add = true} : memref<1024xf32, #tpu.memory_space<vmem>>[vector<16xi32>], vector<16xf32>,
      %scan3A_703 = arith.constant 5 : i32
      %scan3A_704 = arith.addi %scan3A_583, %scan3A_703 : i32
      %mul3A_705 = arith.constant 1 : i32
      %mul3A_706 = arith.muli %scan3A_704, %mul3A_705 : i32
      %add3A_707 = arith.constant 0 : i32
      %add3A_708 = arith.addi %add3A_707, %mul3A_706 : i32
      %mul3A_709 = arith.constant 16 : i32
      %mul3A_710 = arith.muli %add3A_708, %mul3A_709 : i32
      %get3A_711 = arith.constant 0 : i32
      %get3A_712 = arith.index_cast %get3A_711 : i32 to index
      %get3A_713 = arith.index_cast %mul3A_710 : i32 to index
      %get3A_714 = tpu.vector_load %arg9[%get3A_712, %get3A_713] {strides = array<i32>} : memref<2x10112xi32, #tpu.memory_space<vmem>>, vector<16xi32>,
      %get3A_715 = arith.constant 1 : i32
      %get3A_716 = arith.index_cast %get3A_715 : i32 to index
      %get3A_717 = arith.index_cast %mul3A_710 : i32 to index
      %get3A_718 = tpu.vector_load %arg9[%get3A_716, %get3A_717] {strides = array<i32>} : memref<2x10112xi32, #tpu.memory_space<vmem>>, vector<16xi32>,
      %gather3A_719 = tpu.vector_load_idx %arg17[%get3A_714] : memref<10240xf32, #tpu.memory_space<vmem>>[vector<16xi32>], vector<16xf32>,
      %gather3A_720 = tpu.vector_load_idx %arg18[%get3A_718] : memref<10240xi32, #tpu.memory_space<vmem>>[vector<16xi32>], vector<16xi32>,
      %and3A_721 = vector.broadcast %scan3A_554 : i32 to vector<16xi32>
      %and3A_722 = arith.andi %gather3A_720, %and3A_721 : vector<16xi32>
      %bitcast3A_723 = vector.bitcast %and3A_722 : vector<16xi32> to vector<16xf32>
      %and3A_724 = vector.broadcast %scan3A_555 : i32 to vector<16xi32>
      %and3A_725 = arith.andi %gather3A_720, %and3A_724 : vector<16xi32>
      %add3A_726 = arith.addi %and3A_725, %iota3A : vector<16xi32>
      %mul3A_727 = arith.mulf %gather3A_719, %bitcast3A_723 : vector<16xf32>
      tpu.vector_store_idx %arg19[%add3A_726], %mul3A_727 {add = true} : memref<1024xf32, #tpu.memory_space<vmem>>[vector<16xi32>], vector<16xf32>,
      %scan3A_728 = arith.constant 6 : i32
      %scan3A_729 = arith.addi %scan3A_583, %scan3A_728 : i32
      %mul3A_730 = arith.constant 1 : i32
      %mul3A_731 = arith.muli %scan3A_729, %mul3A_730 : i32
      %add3A_732 = arith.constant 0 : i32
      %add3A_733 = arith.addi %add3A_732, %mul3A_731 : i32
      %mul3A_734 = arith.constant 16 : i32
      %mul3A_735 = arith.muli %add3A_733, %mul3A_734 : i32
      %get3A_736 = arith.constant 0 : i32
      %get3A_737 = arith.index_cast %get3A_736 : i32 to index
      %get3A_738 = arith.index_cast %mul3A_735 : i32 to index
      %get3A_739 = tpu.vector_load %arg9[%get3A_737, %get3A_738] {strides = array<i32>} : memref<2x10112xi32, #tpu.memory_space<vmem>>, vector<16xi32>,
      %get3A_740 = arith.constant 1 : i32
      %get3A_741 = arith.index_cast %get3A_740 : i32 to index
      %get3A_742 = arith.index_cast %mul3A_735 : i32 to index
      %get3A_743 = tpu.vector_load %arg9[%get3A_741, %get3A_742] {strides = array<i32>} : memref<2x10112xi32, #tpu.memory_space<vmem>>, vector<16xi32>,
      %gather3A_744 = tpu.vector_load_idx %arg17[%get3A_739] : memref<10240xf32, #tpu.memory_space<vmem>>[vector<16xi32>], vector<16xf32>,
      %gather3A_745 = tpu.vector_load_idx %arg18[%get3A_743] : memref<10240xi32, #tpu.memory_space<vmem>>[vector<16xi32>], vector<16xi32>,
      %and3A_746 = vector.broadcast %scan3A_554 : i32 to vector<16xi32>
      %and3A_747 = arith.andi %gather3A_745, %and3A_746 : vector<16xi32>
      %bitcast3A_748 = vector.bitcast %and3A_747 : vector<16xi32> to vector<16xf32>
      %and3A_749 = vector.broadcast %scan3A_555 : i32 to vector<16xi32>
      %and3A_750 = arith.andi %gather3A_745, %and3A_749 : vector<16xi32>
      %add3A_751 = arith.addi %and3A_750, %iota3A : vector<16xi32>
      %mul3A_752 = arith.mulf %gather3A_744, %bitcast3A_748 : vector<16xf32>
      tpu.vector_store_idx %arg19[%add3A_751], %mul3A_752 {add = true} : memref<1024xf32, #tpu.memory_space<vmem>>[vector<16xi32>], vector<16xf32>,
      %scan3A_753 = arith.constant 7 : i32
      %scan3A_754 = arith.addi %scan3A_583, %scan3A_753 : i32
      %mul3A_755 = arith.constant 1 : i32
      %mul3A_756 = arith.muli %scan3A_754, %mul3A_755 : i32
      %add3A_757 = arith.constant 0 : i32
      %add3A_758 = arith.addi %add3A_757, %mul3A_756 : i32
      %mul3A_759 = arith.constant 16 : i32
      %mul3A_760 = arith.muli %add3A_758, %mul3A_759 : i32
      %get3A_761 = arith.constant 0 : i32
      %get3A_762 = arith.index_cast %get3A_761 : i32 to index
      %get3A_763 = arith.index_cast %mul3A_760 : i32 to index
      %get3A_764 = tpu.vector_load %arg9[%get3A_762, %get3A_763] {strides = array<i32>} : memref<2x10112xi32, #tpu.memory_space<vmem>>, vector<16xi32>,
      %get3A_765 = arith.constant 1 : i32
      %get3A_766 = arith.index_cast %get3A_765 : i32 to index
      %get3A_767 = arith.index_cast %mul3A_760 : i32 to index
      %get3A_768 = tpu.vector_load %arg9[%get3A_766, %get3A_767] {strides = array<i32>} : memref<2x10112xi32, #tpu.memory_space<vmem>>, vector<16xi32>,
      %gather3A_769 = tpu.vector_load_idx %arg17[%get3A_764] : memref<10240xf32, #tpu.memory_space<vmem>>[vector<16xi32>], vector<16xf32>,
      %gather3A_770 = tpu.vector_load_idx %arg18[%get3A_768] : memref<10240xi32, #tpu.memory_space<vmem>>[vector<16xi32>], vector<16xi32>,
      %and3A_771 = vector.broadcast %scan3A_554 : i32 to vector<16xi32>
      %and3A_772 = arith.andi %gather3A_770, %and3A_771 : vector<16xi32>
      %bitcast3A_773 = vector.bitcast %and3A_772 : vector<16xi32> to vector<16xf32>
      %and3A_774 = vector.broadcast %scan3A_555 : i32 to vector<16xi32>
      %and3A_775 = arith.andi %gather3A_770, %and3A_774 : vector<16xi32>
      %add3A_776 = arith.addi %and3A_775, %iota3A : vector<16xi32>
      %mul3A_777 = arith.mulf %gather3A_769, %bitcast3A_773 : vector<16xf32>
      tpu.vector_store_idx %arg19[%add3A_776], %mul3A_777 {add = true} : memref<1024xf32, #tpu.memory_space<vmem>>[vector<16xi32>], vector<16xf32>,
    }
    %scan3A_560 = arith.constant 624 : i32
    %lt3A_561 = arith.constant 4 : i32
    %lt3A_562 = arith.cmpi slt, %add3A, %lt3A_561 : i32
    %convert_element_type3A_563 = arith.extui %lt3A_562 : i1 to i32
    %cond3A_564 = arith.constant -1024 : i32
    %cond3A_565 = arith.constant 1008 : i32
    %cond3A_566 = arith.constant 0 : i32
    %cond3A_567 = arith.cmpi ne, %convert_element_type3A_563, %cond3A_566 : i32
    scf.if %cond3A_567 {
      %scan3A_583 = arith.constant 0 : i32
      %scan3A_584 = arith.constant 8 : i32
      %scan3A_585 = arith.addi %scan3A_583, %scan3A_584 : i32
      %scan3A_586 = arith.constant 1 : i32
      scf.for %scan3A_588 = %scan3A_583 to %scan3A_585 step %scan3A_586  : i32 {
        %mul3A_589 = arith.constant 1 : i32
        %mul3A_590 = arith.muli %scan3A_588, %mul3A_589 : i32
        %add3A_591 = arith.constant 0 : i32
        %add3A_592 = arith.addi %add3A_591, %mul3A_590 : i32
        %mul3A_593 = arith.constant 16 : i32
        %mul3A_594 = arith.muli %add3A_592, %mul3A_593 : i32
        %add3A_595 = arith.constant 9984 : i32
        %add3A_596 = arith.addi %add3A_595, %mul3A_594 : i32
        %get3A = arith.constant 0 : i32
        %get3A_597 = arith.index_cast %get3A : i32 to index
        %get3A_598 = arith.index_cast %add3A_596 : i32 to index
        %get3A_599 = tpu.vector_load %arg9[%get3A_597, %get3A_598] {strides = array<i32>} : memref<2x10112xi32, #tpu.memory_space<vmem>>, vector<16xi32>,
        %get3A_600 = arith.constant 1 : i32
        %get3A_601 = arith.index_cast %get3A_600 : i32 to index
        %get3A_602 = arith.index_cast %add3A_596 : i32 to index
        %get3A_603 = tpu.vector_load %arg9[%get3A_601, %get3A_602] {strides = array<i32>} : memref<2x10112xi32, #tpu.memory_space<vmem>>, vector<16xi32>,
        %gather3A = tpu.vector_load_idx %arg17[%get3A_599] : memref<10240xf32, #tpu.memory_space<vmem>>[vector<16xi32>], vector<16xf32>,
        %gather3A_604 = tpu.vector_load_idx %arg18[%get3A_603] : memref<10240xi32, #tpu.memory_space<vmem>>[vector<16xi32>], vector<16xi32>,
        %and3A = vector.broadcast %cond3A_564 : i32 to vector<16xi32>
        %and3A_605 = arith.andi %gather3A_604, %and3A : vector<16xi32>
        %bitcast3A = vector.bitcast %and3A_605 : vector<16xi32> to vector<16xf32>
        %and3A_606 = vector.broadcast %cond3A_565 : i32 to vector<16xi32>
        %and3A_607 = arith.andi %gather3A_604, %and3A_606 : vector<16xi32>
        %add3A_608 = arith.addi %and3A_607, %iota3A : vector<16xi32>
        %mul3A_609 = arith.mulf %gather3A, %bitcast3A : vector<16xf32>
        tpu.vector_store_idx %arg19[%add3A_608], %mul3A_609 {add = true} : memref<1024xf32, #tpu.memory_space<vmem>>[vector<16xi32>], vector<16xf32>,
      }
      %scan3A_587 = arith.constant 8 : i32
    } else {
    }
    "tpu.trace_stop"() : () -> ()
    %mul3A_568 = arith.constant 320 : i32
    %mul3A_569 = arith.muli %add3A, %mul3A_568 : i32
    %multiple_of3A_570 = tpu.assume_multiple %mul3A_569, 320 : i32
    "tpu.trace_start"() <{level = 10 : i32, message = "ph_self"}> : () -> ()
    %scan3A_571 = arith.constant -1024 : i32
    %scan3A_572 = arith.constant 1008 : i32
    %scan3A_573 = arith.constant 0 : i32
    %scan3A_574 = arith.constant 20 : i32
    %scan3A_575 = arith.addi %scan3A_573, %scan3A_574 : i32
    %scan3A_576 = arith.constant 4 : i32
    scf.for %scan3A_583 = %scan3A_573 to %scan3A_575 step %scan3A_576  : i32 {
      %mul3A_584 = arith.constant 1 : i32
      %mul3A_585 = arith.muli %scan3A_583, %mul3A_584 : i32
      %add3A_586 = arith.constant 0 : i32
      %add3A_587 = arith.addi %add3A_586, %mul3A_585 : i32
      %mul3A_588 = arith.constant 16 : i32
      %mul3A_589 = arith.muli %add3A_587, %mul3A_588 : i32
      %add3A_590 = arith.addi %multiple_of3A_570, %mul3A_589 : i32
      %get3A = arith.index_cast %add3A_590 : i32 to index
      %get3A_591 = tpu.vector_load %arg18[%get3A] {strides = array<i32>} : memref<10240xi32, #tpu.memory_space<vmem>>, vector<16xi32>,
      %get3A_592 = arith.index_cast %add3A_590 : i32 to index
      %get3A_593 = tpu.vector_load %arg17[%get3A_592] {strides = array<i32>} : memref<10240xf32, #tpu.memory_space<vmem>>, vector<16xf32>,
      %and3A = vector.broadcast %scan3A_571 : i32 to vector<16xi32>
      %and3A_594 = arith.andi %get3A_591, %and3A : vector<16xi32>
      %bitcast3A = vector.bitcast %and3A_594 : vector<16xi32> to vector<16xf32>
      %mul3A_595 = arith.mulf %get3A_593, %bitcast3A : vector<16xf32>
      %and3A_596 = vector.broadcast %scan3A_572 : i32 to vector<16xi32>
      %and3A_597 = arith.andi %get3A_591, %and3A_596 : vector<16xi32>
      %add3A_598 = arith.addi %and3A_597, %iota3A : vector<16xi32>
      tpu.vector_store_idx %arg19[%add3A_598], %mul3A_595 {add = true} : memref<1024xf32, #tpu.memory_space<vmem>>[vector<16xi32>], vector<16xf32>,
      %scan3A_599 = arith.constant 1 : i32
      %scan3A_600 = arith.addi %scan3A_583, %scan3A_599 : i32
      %mul3A_601 = arith.constant 1 : i32
      %mul3A_602 = arith.muli %scan3A_600, %mul3A_601 : i32
      %add3A_603 = arith.constant 0 : i32
      %add3A_604 = arith.addi %add3A_603, %mul3A_602 : i32
      %mul3A_605 = arith.constant 16 : i32
      %mul3A_606 = arith.muli %add3A_604, %mul3A_605 : i32
      %add3A_607 = arith.addi %multiple_of3A_570, %mul3A_606 : i32
      %get3A_608 = arith.index_cast %add3A_607 : i32 to index
      %get3A_609 = tpu.vector_load %arg18[%get3A_608] {strides = array<i32>} : memref<10240xi32, #tpu.memory_space<vmem>>, vector<16xi32>,
      %get3A_610 = arith.index_cast %add3A_607 : i32 to index
      %get3A_611 = tpu.vector_load %arg17[%get3A_610] {strides = array<i32>} : memref<10240xf32, #tpu.memory_space<vmem>>, vector<16xf32>,
      %and3A_612 = vector.broadcast %scan3A_571 : i32 to vector<16xi32>
      %and3A_613 = arith.andi %get3A_609, %and3A_612 : vector<16xi32>
      %bitcast3A_614 = vector.bitcast %and3A_613 : vector<16xi32> to vector<16xf32>
      %mul3A_615 = arith.mulf %get3A_611, %bitcast3A_614 : vector<16xf32>
      %and3A_616 = vector.broadcast %scan3A_572 : i32 to vector<16xi32>
      %and3A_617 = arith.andi %get3A_609, %and3A_616 : vector<16xi32>
      %add3A_618 = arith.addi %and3A_617, %iota3A : vector<16xi32>
      tpu.vector_store_idx %arg19[%add3A_618], %mul3A_615 {add = true} : memref<1024xf32, #tpu.memory_space<vmem>>[vector<16xi32>], vector<16xf32>,
      %scan3A_619 = arith.constant 2 : i32
      %scan3A_620 = arith.addi %scan3A_583, %scan3A_619 : i32
      %mul3A_621 = arith.constant 1 : i32
      %mul3A_622 = arith.muli %scan3A_620, %mul3A_621 : i32
      %add3A_623 = arith.constant 0 : i32
      %add3A_624 = arith.addi %add3A_623, %mul3A_622 : i32
      %mul3A_625 = arith.constant 16 : i32
      %mul3A_626 = arith.muli %add3A_624, %mul3A_625 : i32
      %add3A_627 = arith.addi %multiple_of3A_570, %mul3A_626 : i32
      %get3A_628 = arith.index_cast %add3A_627 : i32 to index
      %get3A_629 = tpu.vector_load %arg18[%get3A_628] {strides = array<i32>} : memref<10240xi32, #tpu.memory_space<vmem>>, vector<16xi32>,
      %get3A_630 = arith.index_cast %add3A_627 : i32 to index
      %get3A_631 = tpu.vector_load %arg17[%get3A_630] {strides = array<i32>} : memref<10240xf32, #tpu.memory_space<vmem>>, vector<16xf32>,
      %and3A_632 = vector.broadcast %scan3A_571 : i32 to vector<16xi32>
      %and3A_633 = arith.andi %get3A_629, %and3A_632 : vector<16xi32>
      %bitcast3A_634 = vector.bitcast %and3A_633 : vector<16xi32> to vector<16xf32>
      %mul3A_635 = arith.mulf %get3A_631, %bitcast3A_634 : vector<16xf32>
      %and3A_636 = vector.broadcast %scan3A_572 : i32 to vector<16xi32>
      %and3A_637 = arith.andi %get3A_629, %and3A_636 : vector<16xi32>
      %add3A_638 = arith.addi %and3A_637, %iota3A : vector<16xi32>
      tpu.vector_store_idx %arg19[%add3A_638], %mul3A_635 {add = true} : memref<1024xf32, #tpu.memory_space<vmem>>[vector<16xi32>], vector<16xf32>,
      %scan3A_639 = arith.constant 3 : i32
      %scan3A_640 = arith.addi %scan3A_583, %scan3A_639 : i32
      %mul3A_641 = arith.constant 1 : i32
      %mul3A_642 = arith.muli %scan3A_640, %mul3A_641 : i32
      %add3A_643 = arith.constant 0 : i32
      %add3A_644 = arith.addi %add3A_643, %mul3A_642 : i32
      %mul3A_645 = arith.constant 16 : i32
      %mul3A_646 = arith.muli %add3A_644, %mul3A_645 : i32
      %add3A_647 = arith.addi %multiple_of3A_570, %mul3A_646 : i32
      %get3A_648 = arith.index_cast %add3A_647 : i32 to index
      %get3A_649 = tpu.vector_load %arg18[%get3A_648] {strides = array<i32>} : memref<10240xi32, #tpu.memory_space<vmem>>, vector<16xi32>,
      %get3A_650 = arith.index_cast %add3A_647 : i32 to index
      %get3A_651 = tpu.vector_load %arg17[%get3A_650] {strides = array<i32>} : memref<10240xf32, #tpu.memory_space<vmem>>, vector<16xf32>,
      %and3A_652 = vector.broadcast %scan3A_571 : i32 to vector<16xi32>
      %and3A_653 = arith.andi %get3A_649, %and3A_652 : vector<16xi32>
      %bitcast3A_654 = vector.bitcast %and3A_653 : vector<16xi32> to vector<16xf32>
      %mul3A_655 = arith.mulf %get3A_651, %bitcast3A_654 : vector<16xf32>
      %and3A_656 = vector.broadcast %scan3A_572 : i32 to vector<16xi32>
      %and3A_657 = arith.andi %get3A_649, %and3A_656 : vector<16xi32>
      %add3A_658 = arith.addi %and3A_657, %iota3A : vector<16xi32>
      tpu.vector_store_idx %arg19[%add3A_658], %mul3A_655 {add = true} : memref<1024xf32, #tpu.memory_space<vmem>>[vector<16xi32>], vector<16xf32>,
    }
    %scan3A_577 = arith.constant 20 : i32
    %mul3A_578 = arith.constant 64 : i32
    %mul3A_579 = arith.muli %add3A, %mul3A_578 : i32
    %mul3A_580 = arith.constant 16 : i32
    %mul3A_581 = arith.muli %mul3A_579, %mul3A_580 : i32
    %multiple_of3A_582 = tpu.assume_multiple %mul3A_581, 1024 : i32
    "tpu.region"() ({
      %run_scoped3A = tpu.sem_alloc : memref<!tpu.dma_semaphore, #tpu.memory_space<semaphore_mem>>
      %dma_start3A_583 = tpu.memref_slice %arg5[%multiple_of3A_582] : memref<32768xf32, #tpu.memory_space<hbm>> -> memref<1024xf32, #tpu.memory_space<hbm>>
      %dma_start3A_584 = tpu.memref_slice %arg5[%multiple_of3A_582] : memref<32768xf32, #tpu.memory_space<hbm>> -> memref<1024xf32, #tpu.memory_space<hbm>>
      tpu.enqueue_dma source(%arg19 : memref<1024xf32, #tpu.memory_space<vmem>>) target(%dma_start3A_584 : memref<1024xf32, #tpu.memory_space<hbm>>) target_semaphore(%run_scoped3A : memref<!tpu.dma_semaphore, #tpu.memory_space<semaphore_mem>>)
      %dma_wait3A_585 = tpu.memref_slice %arg5[%multiple_of3A_582] : memref<32768xf32, #tpu.memory_space<hbm>> -> memref<1024xf32, #tpu.memory_space<hbm>>
      %dma_wait3A_586 = tpu.memref_slice %arg5[%multiple_of3A_582] : memref<32768xf32, #tpu.memory_space<hbm>> -> memref<1024xf32, #tpu.memory_space<hbm>>
      tpu.wait_dma2 semaphore(%run_scoped3A : memref<!tpu.dma_semaphore, #tpu.memory_space<semaphore_mem>>) src(%arg19 : memref<1024xf32, #tpu.memory_space<vmem>>) dst(%dma_wait3A_586 : memref<1024xf32, #tpu.memory_space<hbm>>)
      tpu.yield
    }) : () -> ()
    "tpu.trace_stop"() : () -> ()
    return
  }
}

module attributes {stable_mosaic.version = 14 : i64} {
  func.func @_h_body(%arg0: memref<1x128xf32, #tpu.memory_space<vmem>>, %arg1: memref<10000x128xf32, #tpu.memory_space<vmem>>, %arg2: memref<10000xi32, #tpu.memory_space<vmem>>, %arg3: memref<10240xf32, #tpu.memory_space<vmem>>, %arg4: memref<10240xi32, #tpu.memory_space<vmem>>) attributes {dimension_semantics = [], scalar_prefetch = 0 : i64, scratch_operands = 0 : i64, tpu.core_type = #tpu.core_type<tc>} {
    %get3A = arith.constant 0 : index
    %get3A_0 = arith.constant 0 : index
    %get3A_1 = vector.load %arg0[%get3A, %get3A_0] : memref<1x128xf32, #tpu.memory_space<vmem>>, vector<1x128xf32>
    %get3A_2 = arith.constant 0 : index
    %get3A_3 = arith.constant 0 : index
    %get3A_4 = vector.load %arg1[%get3A_2, %get3A_3] : memref<10000x128xf32, #tpu.memory_space<vmem>>, vector<10000x128xf32>
    %dot_general3A = arith.constant dense<0.000000e+00> : vector<1x10000xf32>
    %dot_general3A_5 = tpu.matmul %get3A_1, %get3A_4, %dot_general3A {dimension_numbers = #tpu.dot_dimension_numbers<[1], [1], [0], [0], [0, 0, 1, 0], [], []>, transpose_lhs_hint = false} : vector<1x128xf32>, vector<10000x128xf32>, vector<1x10000xf32> -> vector<1x10000xf32>
    %squeeze3A = vector.shape_cast %dot_general3A_5 : vector<1x10000xf32> to vector<10000xf32>
    %swap3A = arith.constant 0 : index
    %swap3A_6 = vector.load %arg3[%swap3A] : memref<10240xf32, #tpu.memory_space<vmem>>, vector<10000xf32>
    tpu.vector_store %arg3[%swap3A], %squeeze3A {strides = array<i32>} : memref<10240xf32, #tpu.memory_space<vmem>>, vector<10000xf32>,
    %broadcast_in_dim3A = arith.constant 0.000000e+00 : f32
    %broadcast_in_dim3A_7 = vector.broadcast %broadcast_in_dim3A : f32 to vector<240xf32>
    %swap3A_8 = arith.constant 10000 : index
    %swap3A_9 = vector.load %arg3[%swap3A_8] : memref<10240xf32, #tpu.memory_space<vmem>>, vector<240xf32>
    tpu.vector_store %arg3[%swap3A_8], %broadcast_in_dim3A_7 {strides = array<i32>} : memref<10240xf32, #tpu.memory_space<vmem>>, vector<240xf32>,
    %get3A_10 = arith.constant 0 : index
    %get3A_11 = vector.load %arg2[%get3A_10] : memref<10000xi32, #tpu.memory_space<vmem>>, vector<10000xi32>
    %swap3A_12 = arith.constant 0 : index
    %swap3A_13 = vector.load %arg4[%swap3A_12] : memref<10240xi32, #tpu.memory_space<vmem>>, vector<10000xi32>
    tpu.vector_store %arg4[%swap3A_12], %get3A_11 {strides = array<i32>} : memref<10240xi32, #tpu.memory_space<vmem>>, vector<10000xi32>,
    %broadcast_in_dim3A_14 = arith.constant 0 : i32
    %broadcast_in_dim3A_15 = vector.broadcast %broadcast_in_dim3A_14 : i32 to vector<240xi32>
    %swap3A_16 = arith.constant 10000 : index
    %swap3A_17 = vector.load %arg4[%swap3A_16] : memref<10240xi32, #tpu.memory_space<vmem>>, vector<240xi32>
    tpu.vector_store %arg4[%swap3A_16], %broadcast_in_dim3A_15 {strides = array<i32>} : memref<10240xi32, #tpu.memory_space<vmem>>, vector<240xi32>,
    return
  }
}

module attributes {stable_mosaic.version = 14 : i64} {
  func.func @_final_body(%arg0: memref<32x64x16xf32, #tpu.memory_space<vmem>>, %arg1: memref<1x1xf32, #tpu.memory_space<vmem>>, %arg2: memref<1xf32, #tpu.memory_space<vmem>>, %arg3: memref<64x1xf32, #tpu.memory_space<vmem>>) attributes {dimension_semantics = [], scalar_prefetch = 0 : i64, scratch_operands = 0 : i64, tpu.core_type = #tpu.core_type<tc>} {
    %get3A = arith.constant 0 : index
    %get3A_0 = arith.constant 0 : index
    %get3A_1 = arith.constant 0 : index
    %get3A_2 = vector.load %arg0[%get3A, %get3A_0, %get3A_1] : memref<32x64x16xf32, #tpu.memory_space<vmem>>, vector<32x64x16xf32>
    %reduce_sum3A = arith.constant dense<0.000000e+00> : vector<64xf32>
    %reduce_sum3A_3 = vector.multi_reduction <add>, %get3A_2, %reduce_sum3A [0, 2] : vector<32x64x16xf32> to vector<64xf32>
    %broadcast_in_dim3A = vector.shape_cast %reduce_sum3A_3 : vector<64xf32> to vector<64x1xf32>
    %get3A_4 = arith.constant 0 : index
    %get3A_5 = arith.constant 0 : index
    %get3A_6 = vector.load %arg1[%get3A_4, %get3A_5] : memref<1x1xf32, #tpu.memory_space<vmem>>, vector<1x1xf32>
    %mul3A = vector.broadcast %get3A_6 : vector<1x1xf32> to vector<64x1xf32>
    %mul3A_7 = arith.mulf %broadcast_in_dim3A, %mul3A : vector<64x1xf32>
    %get3A_8 = arith.constant 0 : index
    %get3A_9 = vector.load %arg2[%get3A_8] : memref<1xf32, #tpu.memory_space<vmem>>, vector<1xf32>
    %broadcast_in_dim3A_10 = vector.shape_cast %get3A_9 : vector<1xf32> to vector<1x1xf32>
    %add3A = vector.broadcast %broadcast_in_dim3A_10 : vector<1x1xf32> to vector<64x1xf32>
    %add3A_11 = arith.addf %mul3A_7, %add3A : vector<64x1xf32>
    %swap3A = arith.constant 0 : index
    %swap3A_12 = arith.constant 0 : index
    %swap3A_13 = vector.load %arg3[%swap3A, %swap3A_12] : memref<64x1xf32, #tpu.memory_space<vmem>>, vector<64x1xf32>
    tpu.vector_store %arg3[%swap3A, %swap3A_12], %add3A_11 {strides = array<i32>} : memref<64x1xf32, #tpu.memory_space<vmem>>, vector<64x1xf32>,
    return
  }
}

</mosaic_0001>

<sc_bundles>
// kernel: kernel.5.cloned.1.call-start
scs
__scs_entry_jumppad:
0x0: {  	(pc) =	sbr.rel $0x88, $3  }
0x1: {  	(tag) =	ssettag $0x0;
	lr =	simm.s32 $0x1  }
0x2: {  	[smem:$0x3F9B] =	sst lr;
	_ =	strace $0xD0000000  }
0x3: {  	_ = 	snop  }
0x4: {  	_ = 	snop  }
0x5: {  	_ = 	snop  }
0x6: {  	_ = 	snop  }
0x7: {  	_ = 	snop  }
__scs_overlays_trampoline_lowered:
0x8: {  	[smem:$0x3FAA] =	sst s0  }
0x9: {  	[smem:$0x3FAB] =	sst s1  }
0xa: {  	[smem:$0x3FAC] =	sst s2  }
0xb: {  	[smem:$0x3FAD] =	sst s3  }
0xc: {  	[smem:$0x3FAE] =	sst s4  }
0xd: {  	[smem:$0x3FAF] =	sst s5  }
0xe: {  	[smem:$0x3FB0] =	sst s6  }
0xf: {  	[smem:$0x3FB1] =	sst s7  }
0x10: {  	[smem:$0x3FB2] =	sst s8  }
0x11: {  	[smem:$0x3FB3] =	sst s9;
	s0 =	simm.s32 @!p0 $0x0  }
0x12: {  	s1 =	sld [smem:$0x3F99];
	s0 =	simm.s32 @p0 $0x1  }
0x13: {  	[smem:$0x3FB4] =	sst s0;
	s0 =	simm.s32 @!p1 $0x0  }
0x14: {  	s2 =	sld [smem:$0x3F98];
	s0 =	simm.s32 @p1 $0x1  }
0x15: {  	[smem:$0x3FB5] =	sst s0;
	s0 =	simm.s32 @!p2 $0x0  }
0x16: {  	s3 =	sld [smem:$0x3FDB];
	s0 =	simm.s32 @p2 $0x1  }
0x17: {  	s4 =	simm.s32 $0x1BF5;
	[smem:$0x3FB7] =	sst s0  }
0x18: {  	s0 =	sld [smem:$0x3F9A];
	_ =	swait.ge [sflag:s4], $0x0  }
0x19: {  	s7 =	sld [smem:$0x3F9B]  }
0x1a: {  	s8 =	sadd.s32 $0xFFFFE003, lr  }
0x1b: {  	s9 =	sadd.s32 $0xFFFFFEF7, lr;
	s5 =	simm.s32 $0xFFFFFFFF;
	p2 =	slt.u32 s8, $0xFFFFF086  }
0x1c: {  	p1 =	slt.u32 s9, $0xF7A;
	s5 =	simm.s32 @!p2 $0x0  }
0x1d: {  	s5 =	simm.s32 @p1 $0x1;
	p0 =	seq.s32 s7, s2  }
0x1e: {  	s7 =	smul.u32 @!p0 $0xF7A, s2;
	p2 =	seq.s32 @!p0 s5, $0x0  }
0x1f: {  	s9 =	smul.u32 $0xF7A, s1;
	s8 =	simm.s32 @!p0 $0x1BF5;
	p2 =	por !p2, p0  }
0x20: {  	[sflag:s8] =	ssyncset.s32 @!p0 $0xFFFFF086;
	s6 =	sadd.s32 @!p0 s3, s7;
	s7 =	simm.s32 @!p0 $0x108  }
0x21: {  	s3 =	sadd.s32 s3, s9;
	s6 =	sadd.s32 @!p0 $0x88, s6;
	s7 =	simm.s32 @p2 $0x1082  }
0x22: {  	[simem:s7], [sflag:s8] =	dma.local @!p0 [hbm:s6], $0xF7A  }
0x23: {  	s9 =	sor.u32 $0xD0000000, s2;
	s6 =	simm.s32 $0x108;
	_ =	swait.ge @!p0 [sflag:s8], $0x0  }
0x24: {  	s3 =	sadd.s32 $0x88, s3;
	s6 =	simm.s32 @!p1 $0x1082;
	[sflag:s4] =	ssyncset.s32 $0xFFFFF086  }
0x25: {  	[simem:s6], [sflag:s4] =	dma.local [hbm:s3], $0xF7A  }
0x26: {  	[smem:$0x3F9B] =	sst s1;
	(tag) =	ssettag s2;
	_ =	strace s9  }
0x27: {  	s1 =	sld [smem:$0x3FAB]  }
0x28: {  	s2 =	sld [smem:$0x3FAC]  }
0x29: {  	s4 =	sld [smem:$0x3FAE]  }
0x2a: {  	p0 =	seq.s32 s5, $0x0;
	s5 =	sld [smem:$0x3FAF]  }
0x2b: {  	s6 =	sld [smem:$0x3FB0]  }
0x2c: {  	s7 =	sld [smem:$0x3FB1]  }
0x2d: {  	s3 =	simm.s32 $0x108;
	s8 =	sld [smem:$0x3FB2]  }
0x2e: {  	s3 =	simm.s32 @!p0 $0x1082;
	s9 =	sld [smem:$0x3FB3]  }
0x2f: {  	lr =	sadd.s32 s0, s3;
	s0 =	sld [smem:$0x3FAA]  }
0x30: {  	s3 =	sld [smem:$0x3FAD]  }
0x31: {  	[smem:$0x3FB6] =	sst s10  }
0x32: {  	s10 =	sld [smem:$0x3FB4];
	_ =	sdelay $0x3  }
0x33: {  	p0 =	seq.s32 s10, $0x1;
	s10 =	sld [smem:$0x3FB6];
	_ =	sdelay $0x3  }
0x34: {  	[smem:$0x3FB6] =	sst s10  }
0x35: {  	s10 =	sld [smem:$0x3FB5];
	_ =	sdelay $0x3  }
0x36: {  	p1 =	seq.s32 s10, $0x1;
	s10 =	sld [smem:$0x3FB6];
	_ =	sdelay $0x3  }
0x37: {  	[smem:$0x3FB6] =	sst s10  }
0x38: {  	s10 =	sld [smem:$0x3FB7]  }
0x39: {  	_ = 	snop;
	(pc) =	sbr.ind lr, $3  }
0x3a: {  	_ = 	snop  }
0x3b: {  	_ = 	snop  }
0x3c: {  	p2 =	seq.s32 s10, $0x1;
	s10 =	sld [smem:$0x3FB6]  }
0x3d: {  	_ =	shalt  }
0x3e: {  	_ =	shalt  }
0x3f: {  	_ =	shalt  }
0x40: {  	_ =	shalt  }
0x41: {  	_ =	shalt  }
0x42: {  	_ =	shalt  }
0x43: {  	_ =	shalt  }
0x44: {  	_ =	shalt  }
0x45: {  	_ =	shalt  }
0x46: {  	_ =	shalt  }
0x47: {  	_ =	shalt  }
0x48: {  	_ =	shalt  }
0x49: {  	_ =	shalt  }
0x4a: {  	_ =	shalt  }
0x4b: {  	_ =	shalt  }
0x4c: {  	_ =	shalt  }
0x4d: {  	_ =	shalt  }
0x4e: {  	_ =	shalt  }
0x4f: {  	_ =	shalt  }
0x50: {  	_ =	shalt  }
0x51: {  	_ =	shalt  }
0x52: {  	_ =	shalt  }
0x53: {  	_ =	shalt  }
0x54: {  	_ =	shalt  }
0x55: {  	_ =	shalt  }
0x56: {  	_ =	shalt  }
0x57: {  	_ =	shalt  }
0x58: {  	_ =	shalt  }
0x59: {  	_ =	shalt  }
0x5a: {  	_ =	shalt  }
0x5b: {  	_ =	shalt  }
0x5c: {  	_ =	shalt  }
0x5d: {  	_ =	shalt  }
0x5e: {  	_ =	shalt  }
0x5f: {  	_ =	shalt  }
0x60: {  	_ =	shalt  }
0x61: {  	_ =	shalt  }
0x62: {  	_ =	shalt  }
0x63: {  	_ =	shalt  }
0x64: {  	_ =	shalt  }
0x65: {  	_ =	shalt  }
0x66: {  	_ =	shalt  }
0x67: {  	_ =	shalt  }
0x68: {  	_ =	shalt  }
0x69: {  	_ =	shalt  }
0x6a: {  	_ =	shalt  }
0x6b: {  	_ =	shalt  }
0x6c: {  	_ =	shalt  }
0x6d: {  	_ =	shalt  }
0x6e: {  	_ =	shalt  }
0x6f: {  	_ =	shalt  }
0x70: {  	_ =	shalt  }
0x71: {  	_ =	shalt  }
0x72: {  	_ =	shalt  }
0x73: {  	_ =	shalt  }
0x74: {  	_ =	shalt  }
0x75: {  	_ =	shalt  }
0x76: {  	_ =	shalt  }
0x77: {  	_ =	shalt  }
0x78: {  	_ =	shalt  }
0x79: {  	_ =	shalt  }
0x7a: {  	_ =	shalt  }
0x7b: {  	_ =	shalt  }
0x7c: {  	_ =	shalt  }
0x7d: {  	_ =	shalt  }
0x7e: {  	_ =	shalt  }
0x7f: {  	_ =	shalt  }
0x80: {  	_ =	shalt  }
0x81: {  	_ =	shalt  }
0x82: {  	_ =	shalt  }
0x83: {  	_ =	shalt  }
0x84: {  	_ =	shalt  }
0x85: {  	_ =	shalt  }
0x86: {  	_ =	shalt  }
0x87: {  	_ =	shalt  }
.Lfunc_end0:
.L_simem_size_0:
called_computation_lowered:
.L_overlay_start_0:
0x88: {  	s2 =	sld [smem:$0x3FD9]  }
0x89: {  	s3 =	sld [smem:$0x3FFE];
	_ =	sdelay $0x1  }
0x8a: {  	s1 =	srdreg.scid  }
0x8b: {  	s0 =	sand.u32 $0x1, s1  }
0x8c: {  	s17 =	sshll.u32 s0, $0xA;
	s2 =	sadd.s32 s3, s2  }
0x8d: {  	s2 =	sadd.s32 s2, s17  }
0x8e: {  	[smem:$0x3FC2] =	sst s2  }
0x8f: {  	_ = 	snop  }
0x90: {  	s2 =	sld [smem:$0x3FC8];
	(tm) =	ssettm $0x1  }
0x91: {  	s18 =	sld [smem:$0x3FFB];
	_ =	sdelay $0x3  }
0x92: {  	_ =	strace s18  }
0x93: {  	s3 =	sld [smem:$0x3FFC];
	_ =	sdelay $0x3  }
0x94: {  	_ =	strace s3  }
0x95: {  	s3 =	sld [smem:$0x3FFD];
	_ =	sdelay $0x3  }
0x96: {  	_ =	strace s3  }
0x97: {  	_ =	strace $0x8FFFFFFF  }
0x98: {  	s19 =	sld [smem:$0x3FDB];
	_ =	sdelay $0x1  }
0x99: {  	s4 =	simm.s32 $_scs_section_size  }
0x9a: {  	s5 =	simm.s32 $_size__tile_overlayer_lowered;
	s6 =	simm.s32 $_tile_overlayer_lowered  }
0x9b: {  	s22 =	simm.s32 $0x1BFF;
	s21 =	sshll.u32 s6, $0x1;
	s3 =	sadd.s32 s4, s19  }
0x9c: {  	s7 =	simm.s32 $0x0;
	s20 =	sshll.u32 s5, $0x1;
	s5 =	sadd.s32 s21, s3  }
0x9d: {  	[timem:s7], [sflag:s22] =	dma.local [hbm:s5], s20  }
0x9e: {  	_ =	swait.ge [sflag:s22], s20  }
0x9f: {  	s4 =	ssub.s32 $0x0, s20;
	[sflag:s22] =	ssyncset.done $0x0  }
0xa0: {  	[sflag:s22] =	ssyncadd.s32 s4;
	_ =	sdelay $0x1  }
0xa1: {  	s23 =	simm.s32 $0x1B8B  }
0xa2: {  	_ =	swait.ge [sflag:s23], $0x1  }
0xa3: {  	[sflag:s23] =	ssyncset.done $0x0  }
0xa4: {  	s25 =	simm.s32 $0x1B8E;
	s24 =	sld [smem:$0x3FFE];
	[sflag:s23] =	ssyncadd.s32 $0xFFFFFFFF  }
0xa5: {  	s26 =	simm.s32 $execute0_lowered;
	[smem:$0x3FD2] =	sst s25  }
0xa6: {  	s5 =	sshll.u32 s26, $0x1;
	_ =	strace $0x80000046;
	[dreg:$0x1] =	wrdreg $0xFFFFFFFF  }
0xa7: {  	s28 =	simm.s32 $_size_execute0_lowered;
	s3 =	sadd.s32 s3, s5;
	[dreg:$0x0] =	wrdreg $0x0  }
0xa8: {  	s5 =	sshll.u32 s28, $0x1;
	[dreg:$0x2] =	wrdreg s3  }
0xa9: {  	[dreg:$0x3] =	wrdreg s5  }
0xaa: {  	[dreg:$0x4] =	wrdreg $0xC0  }
0xab: {  	_ =	task [dreg:s7], $0x5FFFF  }
0xac: {  	[dreg:$0x1] =	wrdreg $0xFFFFFFFF  }
0xad: {  	[dreg:$0x0] =	wrdreg $0x60  }
0xae: {  	[dreg:$0x2] =	wrdreg s2  }
0xaf: {  	[dreg:$0x3] =	wrdreg s24  }
0xb0: {  	[dreg:$0x4] =	wrdreg $0x9  }
0xb1: {  	_ =	task.clear_ibuf [dreg:s7], $0x5FFFF;
	_ =	strace $0x90000046  }
0xb2: {  	s29 =	simm.s32 $0x9;
	_ =	strace $0x8000004F  }
0xb3: {  	_ =	swait.ge [sflag:s29], $0x1  }
0xb4: {  	[sflag:s29] =	ssyncadd.s32 $0xFFFFFFFF  }
0xb5: {  	_ =	strace $0x9000004F  }
0xb6: {  	_ =	sfence  }
0xb7: {  	s30 =	sld [smem:$0x0];
	_ =	sdelay $0x2  }
0xb8: {  	s31 =	sshll.u32 s1, $0xD;
	s1 =	sshrl.u32 s1, $0x2  }
0xb9: {  	s3 =	sand.u32 $0x4000, s31;
	s1 =	sadd.s32 s1, s30  }
0xba: {  	s0 =	sor.u32 s3, s0;
	s1 =	sshll.u32 s1, $0x11  }
0xbb: {  	s0 =	sor.u32 s1, s0  }
0xbc: {  	s0 =	sadd.s32 $0x8F2B, s0  }
0xbd: {  	[sflag:s0] =	ssyncadd.remote.s32 $0x1  }
0xbe: {  	_ =	sfence.sel $0xFFFF  }
0xbf: {  	[dreg:$0x0] =	wrdreg $0xFFFFFFFF;
	(pc) =	sbr.abs _section_cstart, $3  }
0xc0: {  	[dreg:$0x1] =	wrdreg $0xFFFFFFFF  }
0xc1: {  	_ =	task.clear_ibuf [dreg:s7], $0x2FFFF;
	_ =	strace $0x9FFFFFFF  }
0xc2: {  	(tm) =	ssettm $0x7FFFFFFF  }
0xc3: {  	_ =	shalt  }
tec
execute0_lowered:
.L_overlay_start_1:
0x0: {  	(tag) =	ssettag $0x1  }
0x1: {  	s1 =	rddreg [dreg:$0x0]  }
0x2: {  	s2 =	rddreg [dreg:$0x1];
	s0 =	srdreg.scid  }
0x3: {  	s14 =	stileid.u32;
	s15 =	simm.s32 $0x0;
	s12 =	simm.s32 $0x4E  }
0x4: {  	s3 =	sand.u32 $0x1, s0;
	s4 =	smul.u32 $0x280, s14;
	[smem:$0x7FF] =	sst s15  }
0x5: {  	s8 =	sadd.s32 $0x2000, s2;
	s20 =	sadd.s32 $0xC000, s2;
	s21 =	sadd.s32 $0xC600, s2  }
0x6: {  	s25 =	smul.u32 $0x9C, s14;
	s26 =	smin.u32 s14, $0x4;
	p1 =	sgt.u32 s14, $0x3  }
0x7: {  	s0 =	sshll.u32 s3, $0x4;
	_ =	strace $0x80000047;
	s16 =	smul.u32 $0x28000, s3  }
0x8: {  	s9 =	ssub.s32 $0x2, s3;
	s3 =	smul.u32 $0x5000, s3;
	[dreg:$0x3] =	wrdreg s20  }
0x9: {  	[dreg:$0x4] =	wrdreg s21;
	s0 =	sor.u32 s14, s0;
	s5 =	sshrl.u32 s4, $0x3  }
0xa: {  	s13 =	sshrl.u32 s9, $0x1;
	s6 =	sshll.u32 s0, $0x7;
	s7 =	sadd.s32 s5, s2  }
0xb: {  	s10 =	smul.u32 $0x4E, s0;
	s11 =	smin.u32 s0, $0x4;
	p0 =	slt.u32 s0, $0x4  }
0xc: {  	s17 =	smul.u32 $0x500, s0;
	s4 =	sor.u32 s4, s16;
	s6 =	sadd.s32 s6, s2  }
0xd: {  	s12 =	simm.s32 @!p0 $0x0;
	s2 =	ssub.s32 s9, s13;
	p0 =	slt.u32 s14, $0x4  }
0xe: {  	s13 =	simm.s32 $0x9C;
	s18 =	sadd.s32 $0x1400, s7;
	s7 =	sadd.s32 $0x1A00, s7  }
0xf: {  	s19 =	sshrl.u32 s4, $0x3;
	s22 =	sadd.s32 $0x2800, s4;
	s10 =	sadd.s32 s11, s10  }
0x10: {  	s11 =	sadd.s32 s26, s25;
	s13 =	simm.s32 @!p0 $0x0;
	[dreg:$0x9] =	wrdreg s18  }
0x11: {  	[dreg:$0xa] =	wrdreg s7;
	s23 =	sshrl.u32 s22, $0x3;
	s26 =	sadd.s32 $0x7800, s4  }
0x12: {  	s22 =	sadd.s32 s20, s5;
	s2 =	smax.u32 s2, $0x1;
	p0 =	sgt.u32 s0, $0x3  }
0x13: {  	s7 =	simm.s32 $0x3;
	s20 =	simm.s32 $0x0;
	s24 =	sadd.s32 s10, s12  }
0x14: {  	s10 =	sshll.u32 s10, $0x5;
	s12 =	sadd.s32 s11, s13;
	[dreg:$0xf] =	wrdreg s22  }
0x15: {  	s13 =	sshll.u32 s11, $0x5;
	s11 =	smul.u32 $0x500, s14;
	[dreg:$0x12] =	wrdreg s2  }
0x16: {  	s9 =	sshll.u32 s24, $0x5;
	s10 =	sadd.s32 s1, s10;
	s24 =	sadd.s32 $0x5000, s4  }
0x17: {  	s9 =	sand.u32 $0x1FFFFFE0, s9;
	[dreg:$0x5] =	wrdreg s10;
	s10 =	sadd.s32 s1, s13  }
0x18: {  	s25 =	sshrl.u32 s24, $0x3;
	s13 =	sadd.s32 s11, s3;
	s24 =	sadd.s32 $0xCC00, s6  }
0x19: {  	s6 =	simm.s32 $0x4;
	s3 =	simm.s32 $0x14600;
	[dreg:$0x7] =	wrdreg s10  }
0x1a: {  	s9 =	sadd.s32 s1, s9;
	s10 =	sadd.s32 $0x14000, s4;
	[dreg:$0x11] =	wrdreg s24  }
0x1b: {  	s4 =	simm.s32 $0x19600;
	[dreg:$0x6] =	wrdreg s9;
	s9 =	sshll.u32 s12, $0x5  }
0x1c: {  	s12 =	sadd.s32 s8, s19;
	s1 =	sadd.s32 s1, s9;
	s9 =	sshrl.u32 s26, $0x3  }
0x1d: {  	s16 =	sadd.s32 $0x1400, s12;
	s19 =	sadd.s32 $0x1E00, s12;
	s28 =	sadd.s32 $0x2D00, s12  }
0x1e: {  	s29 =	sadd.s32 $0x3200, s12;
	[dreg:$0x8] =	wrdreg s1;
	s1 =	sadd.s32 s8, s17  }
0x1f: {  	s30 =	sadd.s32 $0x3700, s12;
	[dreg:$0xb] =	wrdreg s1;
	s1 =	sadd.s32 s8, s23  }
0x20: {  	s31 =	sadd.s32 $0x3C00, s12;
	[dreg:$0xc] =	wrdreg s1;
	s1 =	sadd.s32 s8, s25  }
0x21: {  	s0 =	sadd.s32 $0x4100, s12;
	[dreg:$0xd] =	wrdreg s1;
	s1 =	sadd.s32 s8, s9  }
0x22: {  	s17 =	sadd.s32 $0x1900, s12;
	[dreg:$0xe] =	wrdreg s1;
	s1 =	sshrl.u32 s10, $0x3  }
0x23: {  	s23 =	sadd.s32 s21, s5;
	s18 =	sadd.s32 s8, s1;
	s1 =	sor.u32 $0x80, s13  }
0x24: {  	s5 =	sadd.s32 $0x4B00, s12;
	[dreg:$0x10] =	wrdreg s23;
	s1 =	sshrl.u32 s1, $0x2  }
0x25: {  	s9 =	simm.s32 $0x16E00;
	s10 =	simm.s32 $0x1;
	s25 =	sadd.s32 $0x16E00, s1  }
0x26: {  	v0 =	vimm.s32 $0x0;
	s8 =	simm.s32 $0xEC00;
	s26 =	sadd.s32 $0x14600, s1;
	[dreg:$0x13] =	wrdreg s25  }
0x27: {  	v1 =	vimm.s32 $0x1;
	v2 =	vimm.f32 $0.0e+00;
	v3 =	vlaneseq.u32;
	s1 =	sadd.s32 $0x4600, s12;
	[dreg:$0x14] =	wrdreg s26;
	s26 =	sadd.s32 $0x2300, s12  }
.LBB2_1:
0x28: {  	s2 =	rddreg [dreg:$0x5]  }
0x29: {  	[tilespmem:s15], [sflag:$0x1] =	stream.linear.gather [hbm4b:s2+s15], $0x4E00, $0x38;
	[tilespmem:$0x19A00] =	vst v63  }
0x2a: {  	s25 =	rddreg [dreg:$0x6];
	s11 =	simm.s32 $0x4E00  }
0x2b: {  	[tilespmem:s11], [sflag:$0x1] =	stream.linear.gather [hbm4b:s25+s15], $0x100, $0x38;
	[tilespmem:$0x19A00] =	vst v63  }
0x2c: {  	s13 =	simm.s32 $0x4F00;
	s11 =	rddreg [dreg:$0x7]  }
0x2d: {  	[tilespmem:s13], [sflag:$0x3] =	stream.linear.gather [hbm4b:s11+s15], $0x9C00, $0x38;
	[tilespmem:$0x19A00] =	vst v63  }
0x2e: {  	s14 =	rddreg [dreg:$0x8];
	s21 =	simm.s32 $0xEB00  }
0x2f: {  	[tilespmem:s21], [sflag:$0x3] =	stream.linear.gather [hbm4b:s14+s15], $0x100, $0x38;
	[tilespmem:$0x19A00] =	vst v63  }
0x30: {  	_ =	strace $0x80000048  }
0x31: {  	s23 =	simm.s32 $0x13C00;
	s22 =	rddreg [dreg:$0x9]  }
0x32: {  	[tilespmem:s23], [sflag:$0x4] =	stream.linear.gather [hbm4b:s22+s15], $0x280, $0x200038;
	[tilespmem:$0x19A00] =	vst v63  }
0x33: {  	_ =	swait.ge [sflag:s6], $0x280  }
0x34: {  	[sflag:s6] =	ssyncset.done $0x0  }
0x35: {  	s25 =	simm.s32 $0x13E80;
	s24 =	rddreg [dreg:$0xa];
	[sflag:s6] =	ssyncadd.s32 $0xFFFFFD80  }
0x36: {  	[tilespmem:s25], [sflag:$0x4] =	stream.linear.gather [hbm4b:s24+s15], $0x280, $0x200038;
	[tilespmem:$0x19A00] =	vst v63  }
0x37: {  	_ =	swait.ge [sflag:s6], $0x280  }
0x38: {  	[sflag:s6] =	ssyncset.done $0x0  }
0x39: {  	s2 =	simm.s32 $0xEC40;
	[sflag:s6] =	ssyncadd.s32 $0xFFFFFD80  }
0x3a: {  	[tilespmem:s2+$0xFFFFFFC0] =	vst v0  }
0x3b: {  	[tilespmem:s2+$0x30] =	vst v0  }
0x3c: {  	[tilespmem:s2+$0x20] =	vst v0  }
0x3d: {  	[tilespmem:s2+$0x10] =	vst v0  }
0x3e: {  	[tilespmem:s2+$0x0] =	vst v0  }
0x3f: {  	[tilespmem:s2+$0xFFFFFFF0] =	vst v0  }
0x40: {  	s11 =	simm.s32 $0x0;
	[tilespmem:s2+$0xFFFFFFE0] =	vst v0  }
.LBB2_2:
0x41: {  	s11 =	sadd.s32 $0x8, s11;
	[tilespmem:s2+$0xFFFFFFD0] =	vst v0;
	s2 =	sadd.s32 $0x80, s2  }
0x42: {  	[tilespmem:s2+$0xFFFFFFC0] =	vst v0;
	p2 =	slt.u32 s11, $0x278  }
0x43: {  	[tilespmem:s2+$0x30] =	vst v0  }
.Ltmp0:
0x44: {  	[tilespmem:s2+$0x20] =	vst v0;
	(pc) =	sbr.rel @p2 .LBB2_2-.Ltmp0, $4  }
0x45: {  	[tilespmem:s2+$0x10] =	vst v0  }
0x46: {  	[tilespmem:s2+$0x0] =	vst v0  }
0x47: {  	[tilespmem:s2+$0xFFFFFFF0] =	vst v0  }
0x48: {  	[tilespmem:s2+$0xFFFFFFE0] =	vst v0  }
0x49: {  	[tilespmem:s2+$0xFFFFFFD0] =	vst v0  }
0x4a: {  	_ =	swait.ge [sflag:s7], $0x9C00  }
0x4b: {  	[sflag:s7] =	ssyncset.done $0x0  }
0x4c: {  	[sflag:s7] =	ssyncadd.s32 $0xFFFF6400  }
0x4d: {  	_ =	swait.ge [sflag:s7], $0x100  }
0x4e: {  	[sflag:s7] =	ssyncset.done $0x0  }
0x4f: {  	[sflag:s7] =	ssyncadd.s32 $0xFFFFFF00  }
0x50: {  	_ =	strace $0x90000048  }
0x51: {  	s2 =	simm.s32 $0xFFFFFFF8;
	s11 =	simm.s32 $0x4FF0;
	_ =	strace $0x80000049  }
.LBB2_4:
0x52: {  	v4 =	vld [tilespmem:s11+$0xFFFFFF90];
	_ =	sdelay $0x7  }
0x53: {  	[tilespmem:v4+s8+$0x0] =	vst.idx.add.s32.msk $0xffff, v1  }
0x54: {  	v4 =	vld [tilespmem:s11+$0xFFFFFFA0];
	_ =	sdelay $0x7  }
0x55: {  	[tilespmem:v4+s8+$0x0] =	vst.idx.add.s32.msk $0xffff, v1  }
0x56: {  	v4 =	vld [tilespmem:s11+$0xFFFFFFB0];
	_ =	sdelay $0x7  }
0x57: {  	[tilespmem:v4+s8+$0x0] =	vst.idx.add.s32.msk $0xffff, v1  }
0x58: {  	v4 =	vld [tilespmem:s11+$0xFFFFFFC0];
	_ =	sdelay $0x7  }
0x59: {  	[tilespmem:v4+s8+$0x0] =	vst.idx.add.s32.msk $0xffff, v1  }
0x5a: {  	v4 =	vld [tilespmem:s11+$0xFFFFFFD0];
	_ =	sdelay $0x7  }
0x5b: {  	[tilespmem:v4+s8+$0x0] =	vst.idx.add.s32.msk $0xffff, v1  }
0x5c: {  	v4 =	vld [tilespmem:s11+$0xFFFFFFE0];
	_ =	sdelay $0x7  }
0x5d: {  	[tilespmem:v4+s8+$0x0] =	vst.idx.add.s32.msk $0xffff, v1  }
0x5e: {  	v4 =	vld [tilespmem:s11+$0xFFFFFFF0];
	_ =	sdelay $0x7  }
0x5f: {  	[tilespmem:v4+s8+$0x0] =	vst.idx.add.s32.msk $0xffff, v1  }
0x60: {  	v4 =	vld [tilespmem:s11+$0x0];
	_ =	sdelay $0x1  }
0x61: {  	s2 =	sadd.s32 $0x8, s2  }
0x62: {  	p2 =	slt.u32 s2, $0x4D8  }
.Ltmp1:
0x63: {  	_ = 	snop;
	(pc) =	sbr.rel @p2 .LBB2_4-.Ltmp1, $2  }
0x64: {  	_ =	sdelay $0x2  }
0x65: {  	s11 =	sadd.s32 $0x100, s11;
	[tilespmem:v4+s8+$0x0] =	vst.idx.add.s32.msk $0xffff, v1  }
0x66: {  	v4 =	vld @!p1 [tilespmem:$0xEB80];
	_ =	sdelay $0x6  }
0x67: {  	v5 =	vimm.s32 @!p1 $0x1;
	s2 =	simm.s32 @!p1 $0xEC00  }
0x68: {  	[tilespmem:v4+s2+$0x0] =	vst.idx.add.s32.msk @!p1 $0xffff, v5  }
0x69: {  	v4 =	vld @!p1 [tilespmem:$0xEB90];
	_ =	sdelay $0x7  }
0x6a: {  	[tilespmem:v4+s2+$0x0] =	vst.idx.add.s32.msk @!p1 $0xffff, v5  }
0x6b: {  	v4 =	vld @!p1 [tilespmem:$0xEBA0];
	_ =	sdelay $0x7  }
0x6c: {  	[tilespmem:v4+s2+$0x0] =	vst.idx.add.s32.msk @!p1 $0xffff, v5  }
0x6d: {  	v4 =	vld @!p1 [tilespmem:$0xEBB0];
	_ =	sdelay $0x7  }
0x6e: {  	[tilespmem:v4+s2+$0x0] =	vst.idx.add.s32.msk @!p1 $0xffff, v5  }
0x6f: {  	v4 =	vld @!p1 [tilespmem:$0xEBC0];
	_ =	sdelay $0x7  }
0x70: {  	[tilespmem:v4+s2+$0x0] =	vst.idx.add.s32.msk @!p1 $0xffff, v5  }
0x71: {  	v4 =	vld @!p1 [tilespmem:$0xEBD0];
	_ =	sdelay $0x7  }
0x72: {  	[tilespmem:v4+s2+$0x0] =	vst.idx.add.s32.msk @!p1 $0xffff, v5  }
0x73: {  	v4 =	vld @!p1 [tilespmem:$0xEBE0];
	_ =	sdelay $0x7  }
0x74: {  	[tilespmem:v4+s2+$0x0] =	vst.idx.add.s32.msk @!p1 $0xffff, v5  }
0x75: {  	v4 =	vld @!p1 [tilespmem:$0xEBF0];
	_ =	sdelay $0x7  }
0x76: {  	[tilespmem:v4+s2+$0x0] =	vst.idx.add.s32.msk @!p1 $0xffff, v5  }
0x77: {  	_ =	strace $0x90000049  }
0x78: {  	_ =	strace $0x8000004A  }
0x79: {  	s21 =	simm.s32 $0x0;
	s13 =	rddreg [dreg:$0xb]  }
0x7a: {  	[hbm4b:s13+s21] =	stream.linear.scatter [tilespmem:s8], [sflag:$0x4], $0x2800, $0x200038;
	[tilespmem:$0x19A00] =	vst v63  }
0x7b: {  	_ =	swait.ge [sflag:s6], $0x2800  }
0x7c: {  	[sflag:s6] =	ssyncset.done $0x0  }
0x7d: {  	[sflag:s6] =	ssyncadd.s32 $0xFFFFD800  }
0x7e: {  	s14 =	simm.s32 $0x11400;
	[bflag:$0x0] =	sbarrier.arrive $0xFFFF  }
0x7f: {  	[tilespmem:s14], [sflag:$0x3] =	stream.linear.gather [hbm4b:s12+s21], $0x80, $0x200038;
	[tilespmem:$0x19A00] =	vst v63  }
0x80: {  	s15 =	sadd.s32 $0x10, s12;
	s11 =	simm.s32 $0x11800  }
0x81: {  	[tilespmem:s11], [sflag:$0x3] =	stream.linear.gather [hbm4b:s15+s21], $0x80, $0x200038;
	[tilespmem:$0x19A00] =	vst v63  }
0x82: {  	s22 =	sadd.s32 $0x20, s12;
	s23 =	simm.s32 $0x11C00  }
0x83: {  	[tilespmem:s23], [sflag:$0x3] =	stream.linear.gather [hbm4b:s22+s21], $0x80, $0x200038;
	[tilespmem:$0x19A00] =	vst v63  }
0x84: {  	s24 =	sadd.s32 $0x30, s12;
	s25 =	simm.s32 $0x12000  }
0x85: {  	[tilespmem:s25], [sflag:$0x3] =	stream.linear.gather [hbm4b:s24+s21], $0x80, $0x200038;
	[tilespmem:$0x19A00] =	vst v63  }
0x86: {  	s13 =	sadd.s32 $0x40, s12;
	s14 =	simm.s32 $0x12400  }
0x87: {  	[tilespmem:s14], [sflag:$0x3] =	stream.linear.gather [hbm4b:s13+s21], $0x80, $0x200038;
	[tilespmem:$0x19A00] =	vst v63  }
0x88: {  	s15 =	rddreg [dreg:$0xc];
	s22 =	simm.s32 $0x11480  }
0x89: {  	[tilespmem:s22], [sflag:$0x3] =	stream.linear.gather [hbm4b:s15+s21], $0x80, $0x200038;
	[tilespmem:$0x19A00] =	vst v63  }
0x8a: {  	s23 =	sadd.s32 $0x10, s15;
	s13 =	simm.s32 $0x11880  }
0x8b: {  	[tilespmem:s13], [sflag:$0x3] =	stream.linear.gather [hbm4b:s23+s21], $0x80, $0x200038;
	[tilespmem:$0x19A00] =	vst v63  }
0x8c: {  	s24 =	sadd.s32 $0x20, s15;
	s25 =	simm.s32 $0x11C80  }
0x8d: {  	[tilespmem:s25], [sflag:$0x3] =	stream.linear.gather [hbm4b:s24+s21], $0x80, $0x200038;
	[tilespmem:$0x19A00] =	vst v63  }
0x8e: {  	s14 =	simm.s32 $0x12080;
	s13 =	sadd.s32 $0x30, s15  }
0x8f: {  	[tilespmem:s14], [sflag:$0x3] =	stream.linear.gather [hbm4b:s13+s21], $0x80, $0x200038;
	[tilespmem:$0x19A00] =	vst v63  }
0x90: {  	s22 =	simm.s32 $0x12480;
	s15 =	sadd.s32 $0x40, s15  }
0x91: {  	[tilespmem:s22], [sflag:$0x3] =	stream.linear.gather [hbm4b:s15+s21], $0x80, $0x200038;
	[tilespmem:$0x19A00] =	vst v63  }
0x92: {  	s11 =	rddreg [dreg:$0xd];
	s23 =	simm.s32 $0x11500  }
0x93: {  	[tilespmem:s23], [sflag:$0x3] =	stream.linear.gather [hbm4b:s11+s21], $0x80, $0x200038;
	[tilespmem:$0x19A00] =	vst v63  }
0x94: {  	s24 =	sadd.s32 $0x10, s11;
	s25 =	simm.s32 $0x11900  }
0x95: {  	[tilespmem:s25], [sflag:$0x3] =	stream.linear.gather [hbm4b:s24+s21], $0x80, $0x200038;
	[tilespmem:$0x19A00] =	vst v63  }
0x96: {  	s14 =	sadd.s32 $0x20, s11;
	s15 =	simm.s32 $0x11D00  }
0x97: {  	[tilespmem:s15], [sflag:$0x3] =	stream.linear.gather [hbm4b:s14+s21], $0x80, $0x200038;
	[tilespmem:$0x19A00] =	vst v63  }
0x98: {  	s22 =	sadd.s32 $0x30, s11;
	s23 =	simm.s32 $0x12100  }
0x99: {  	[tilespmem:s23], [sflag:$0x3] =	stream.linear.gather [hbm4b:s22+s21], $0x80, $0x200038;
	[tilespmem:$0x19A00] =	vst v63  }
0x9a: {  	s24 =	sadd.s32 $0x40, s11;
	s25 =	simm.s32 $0x12500  }
0x9b: {  	[tilespmem:s25], [sflag:$0x3] =	stream.linear.gather [hbm4b:s24+s21], $0x80, $0x200038;
	[tilespmem:$0x19A00] =	vst v63  }
0x9c: {  	s13 =	simm.s32 $0x11580;
	s11 =	rddreg [dreg:$0xe]  }
0x9d: {  	[tilespmem:s13], [sflag:$0x3] =	stream.linear.gather [hbm4b:s11+s21], $0x80, $0x200038;
	[tilespmem:$0x19A00] =	vst v63  }
0x9e: {  	s14 =	sadd.s32 $0x10, s11;
	s15 =	simm.s32 $0x11980  }
0x9f: {  	[tilespmem:s15], [sflag:$0x3] =	stream.linear.gather [hbm4b:s14+s21], $0x80, $0x200038;
	[tilespmem:$0x19A00] =	vst v63  }
0xa0: {  	s22 =	sadd.s32 $0x20, s11;
	s23 =	simm.s32 $0x11D80  }
0xa1: {  	[tilespmem:s23], [sflag:$0x3] =	stream.linear.gather [hbm4b:s22+s21], $0x80, $0x200038;
	[tilespmem:$0x19A00] =	vst v63  }
0xa2: {  	s24 =	sadd.s32 $0x30, s11;
	s25 =	simm.s32 $0x12180  }
0xa3: {  	[tilespmem:s25], [sflag:$0x3] =	stream.linear.gather [hbm4b:s24+s21], $0x80, $0x200038;
	[tilespmem:$0x19A00] =	vst v63  }
0xa4: {  	s13 =	sadd.s32 $0x40, s11;
	s14 =	simm.s32 $0x12580  }
0xa5: {  	[tilespmem:s14], [sflag:$0x3] =	stream.linear.gather [hbm4b:s13+s21], $0x80, $0x200038;
	[tilespmem:$0x19A00] =	vst v63  }
0xa6: {  	s15 =	simm.s32 $0x11600  }
0xa7: {  	[tilespmem:s15], [sflag:$0x3] =	stream.linear.gather [hbm4b:s16+s21], $0x80, $0x200038;
	[tilespmem:$0x19A00] =	vst v63  }
0xa8: {  	s22 =	sadd.s32 $0x10, s16;
	s23 =	simm.s32 $0x11A00  }
0xa9: {  	[tilespmem:s23], [sflag:$0x3] =	stream.linear.gather [hbm4b:s22+s21], $0x80, $0x200038;
	[tilespmem:$0x19A00] =	vst v63  }
0xaa: {  	s24 =	sadd.s32 $0x20, s16;
	s25 =	simm.s32 $0x11E00  }
0xab: {  	[tilespmem:s25], [sflag:$0x3] =	stream.linear.gather [hbm4b:s24+s21], $0x80, $0x200038;
	[tilespmem:$0x19A00] =	vst v63  }
0xac: {  	s13 =	sadd.s32 $0x30, s16;
	s14 =	simm.s32 $0x12200  }
0xad: {  	[tilespmem:s14], [sflag:$0x3] =	stream.linear.gather [hbm4b:s13+s21], $0x80, $0x200038;
	[tilespmem:$0x19A00] =	vst v63  }
0xae: {  	s15 =	sadd.s32 $0x40, s16;
	s22 =	simm.s32 $0x12600  }
0xaf: {  	[tilespmem:s22], [sflag:$0x3] =	stream.linear.gather [hbm4b:s15+s21], $0x80, $0x200038;
	[tilespmem:$0x19A00] =	vst v63  }
0xb0: {  	s23 =	simm.s32 $0x11680  }
0xb1: {  	[tilespmem:s23], [sflag:$0x3] =	stream.linear.gather [hbm4b:s17+s21], $0x80, $0x200038;
	[tilespmem:$0x19A00] =	vst v63  }
0xb2: {  	s24 =	sadd.s32 $0x10, s17;
	s25 =	simm.s32 $0x11A80  }
0xb3: {  	[tilespmem:s25], [sflag:$0x3] =	stream.linear.gather [hbm4b:s24+s21], $0x80, $0x200038;
	[tilespmem:$0x19A00] =	vst v63  }
0xb4: {  	s13 =	sadd.s32 $0x20, s17;
	s14 =	simm.s32 $0x11E80  }
0xb5: {  	[tilespmem:s14], [sflag:$0x3] =	stream.linear.gather [hbm4b:s13+s21], $0x80, $0x200038;
	[tilespmem:$0x19A00] =	vst v63  }
0xb6: {  	s15 =	sadd.s32 $0x30, s17;
	s22 =	simm.s32 $0x12280  }
0xb7: {  	[tilespmem:s22], [sflag:$0x3] =	stream.linear.gather [hbm4b:s15+s21], $0x80, $0x200038;
	[tilespmem:$0x19A00] =	vst v63  }
0xb8: {  	s23 =	sadd.s32 $0x40, s17;
	s24 =	simm.s32 $0x12680  }
0xb9: {  	[tilespmem:s24], [sflag:$0x3] =	stream.linear.gather [hbm4b:s23+s21], $0x80, $0x200038;
	[tilespmem:$0x19A00] =	vst v63  }
0xba: {  	s25 =	simm.s32 $0x11700  }
0xbb: {  	[tilespmem:s25], [sflag:$0x3] =	stream.linear.gather [hbm4b:s19+s21], $0x80, $0x200038;
	[tilespmem:$0x19A00] =	vst v63  }
0xbc: {  	s11 =	sadd.s32 $0x10, s19;
	s13 =	simm.s32 $0x11B00  }
0xbd: {  	[tilespmem:s13], [sflag:$0x3] =	stream.linear.gather [hbm4b:s11+s21], $0x80, $0x200038;
	[tilespmem:$0x19A00] =	vst v63  }
0xbe: {  	s14 =	sadd.s32 $0x20, s19;
	s15 =	simm.s32 $0x11F00  }
0xbf: {  	[tilespmem:s15], [sflag:$0x3] =	stream.linear.gather [hbm4b:s14+s21], $0x80, $0x200038;
	[tilespmem:$0x19A00] =	vst v63  }
0xc0: {  	s22 =	sadd.s32 $0x30, s19;
	s23 =	simm.s32 $0x12300  }
0xc1: {  	[tilespmem:s23], [sflag:$0x3] =	stream.linear.gather [hbm4b:s22+s21], $0x80, $0x200038;
	[tilespmem:$0x19A00] =	vst v63  }
0xc2: {  	s24 =	sadd.s32 $0x40, s19;
	s25 =	simm.s32 $0x12700  }
0xc3: {  	[tilespmem:s25], [sflag:$0x3] =	stream.linear.gather [hbm4b:s24+s21], $0x80, $0x200038;
	[tilespmem:$0x19A00] =	vst v63  }
0xc4: {  	s13 =	simm.s32 $0x11780  }
0xc5: {  	[tilespmem:s13], [sflag:$0x3] =	stream.linear.gather [hbm4b:s26+s21], $0x80, $0x200038;
	[tilespmem:$0x19A00] =	vst v63  }
0xc6: {  	s14 =	sadd.s32 $0x10, s26;
	s15 =	simm.s32 $0x11B80  }
0xc7: {  	[tilespmem:s15], [sflag:$0x3] =	stream.linear.gather [hbm4b:s14+s21], $0x80, $0x200038;
	[tilespmem:$0x19A00] =	vst v63  }
0xc8: {  	s22 =	sadd.s32 $0x20, s26;
	s23 =	simm.s32 $0x11F80  }
0xc9: {  	[tilespmem:s23], [sflag:$0x3] =	stream.linear.gather [hbm4b:s22+s21], $0x80, $0x200038;
	[tilespmem:$0x19A00] =	vst v63  }
0xca: {  	s24 =	sadd.s32 $0x30, s26;
	s25 =	simm.s32 $0x12380  }
0xcb: {  	[tilespmem:s25], [sflag:$0x3] =	stream.linear.gather [hbm4b:s24+s21], $0x80, $0x200038;
	[tilespmem:$0x19A00] =	vst v63  }
0xcc: {  	s13 =	sadd.s32 $0x40, s26;
	s14 =	simm.s32 $0x12780  }
0xcd: {  	[tilespmem:s14], [sflag:$0x3] =	stream.linear.gather [hbm4b:s13+s21], $0x80, $0x200038;
	[tilespmem:$0x19A00] =	vst v63  }
0xce: {  	s15 =	simm.s32 $0x12800  }
0xcf: {  	[tilespmem:s15], [sflag:$0x3] =	stream.linear.gather [hbm4b:s18+s21], $0x80, $0x200038;
	[tilespmem:$0x19A00] =	vst v63  }
0xd0: {  	s22 =	sadd.s32 $0x10, s18;
	s23 =	simm.s32 $0x12C00  }
0xd1: {  	[tilespmem:s23], [sflag:$0x3] =	stream.linear.gather [hbm4b:s22+s21], $0x80, $0x200038;
	[tilespmem:$0x19A00] =	vst v63  }
0xd2: {  	s24 =	sadd.s32 $0x20, s18;
	s25 =	simm.s32 $0x13000  }
0xd3: {  	[tilespmem:s25], [sflag:$0x3] =	stream.linear.gather [hbm4b:s24+s21], $0x80, $0x200038;
	[tilespmem:$0x19A00] =	vst v63  }
0xd4: {  	s13 =	sadd.s32 $0x30, s18;
	s14 =	simm.s32 $0x13400  }
0xd5: {  	[tilespmem:s14], [sflag:$0x3] =	stream.linear.gather [hbm4b:s13+s21], $0x80, $0x200038;
	[tilespmem:$0x19A00] =	vst v63  }
0xd6: {  	s15 =	sadd.s32 $0x40, s18;
	s22 =	simm.s32 $0x13800  }
0xd7: {  	[tilespmem:s22], [sflag:$0x3] =	stream.linear.gather [hbm4b:s15+s21], $0x80, $0x200038;
	[tilespmem:$0x19A00] =	vst v63  }
0xd8: {  	s23 =	simm.s32 $0x12880  }
0xd9: {  	[tilespmem:s23], [sflag:$0x3] =	stream.linear.gather [hbm4b:s28+s21], $0x80, $0x200038;
	[tilespmem:$0x19A00] =	vst v63  }
0xda: {  	s24 =	sadd.s32 $0x10, s28;
	s25 =	simm.s32 $0x12C80  }
0xdb: {  	[tilespmem:s25], [sflag:$0x3] =	stream.linear.gather [hbm4b:s24+s21], $0x80, $0x200038;
	[tilespmem:$0x19A00] =	vst v63  }
0xdc: {  	s13 =	sadd.s32 $0x20, s28;
	s14 =	simm.s32 $0x13080  }
0xdd: {  	[tilespmem:s14], [sflag:$0x3] =	stream.linear.gather [hbm4b:s13+s21], $0x80, $0x200038;
	[tilespmem:$0x19A00] =	vst v63  }
0xde: {  	s15 =	sadd.s32 $0x30, s28;
	s22 =	simm.s32 $0x13480  }
0xdf: {  	[tilespmem:s22], [sflag:$0x3] =	stream.linear.gather [hbm4b:s15+s21], $0x80, $0x200038;
	[tilespmem:$0x19A00] =	vst v63  }
0xe0: {  	s23 =	sadd.s32 $0x40, s28;
	s24 =	simm.s32 $0x13880  }
0xe1: {  	[tilespmem:s24], [sflag:$0x3] =	stream.linear.gather [hbm4b:s23+s21], $0x80, $0x200038;
	[tilespmem:$0x19A00] =	vst v63  }
0xe2: {  	s25 =	simm.s32 $0x12900  }
0xe3: {  	[tilespmem:s25], [sflag:$0x3] =	stream.linear.gather [hbm4b:s29+s21], $0x80, $0x200038;
	[tilespmem:$0x19A00] =	vst v63  }
0xe4: {  	s11 =	sadd.s32 $0x10, s29;
	s13 =	simm.s32 $0x12D00  }
0xe5: {  	[tilespmem:s13], [sflag:$0x3] =	stream.linear.gather [hbm4b:s11+s21], $0x80, $0x200038;
	[tilespmem:$0x19A00] =	vst v63  }
0xe6: {  	s14 =	sadd.s32 $0x20, s29;
	s15 =	simm.s32 $0x13100  }
0xe7: {  	[tilespmem:s15], [sflag:$0x3] =	stream.linear.gather [hbm4b:s14+s21], $0x80, $0x200038;
	[tilespmem:$0x19A00] =	vst v63  }
0xe8: {  	s22 =	sadd.s32 $0x30, s29;
	s23 =	simm.s32 $0x13500  }
0xe9: {  	[tilespmem:s23], [sflag:$0x3] =	stream.linear.gather [hbm4b:s22+s21], $0x80, $0x200038;
	[tilespmem:$0x19A00] =	vst v63  }
0xea: {  	s24 =	sadd.s32 $0x40, s29;
	s25 =	simm.s32 $0x13900  }
0xeb: {  	[tilespmem:s25], [sflag:$0x3] =	stream.linear.gather [hbm4b:s24+s21], $0x80, $0x200038;
	[tilespmem:$0x19A00] =	vst v63  }
0xec: {  	s13 =	simm.s32 $0x12980  }
0xed: {  	[tilespmem:s13], [sflag:$0x3] =	stream.linear.gather [hbm4b:s30+s21], $0x80, $0x200038;
	[tilespmem:$0x19A00] =	vst v63  }
0xee: {  	s14 =	sadd.s32 $0x10, s30;
	s15 =	simm.s32 $0x12D80  }
0xef: {  	[tilespmem:s15], [sflag:$0x3] =	stream.linear.gather [hbm4b:s14+s21], $0x80, $0x200038;
	[tilespmem:$0x19A00] =	vst v63  }
0xf0: {  	s22 =	sadd.s32 $0x20, s30;
	s23 =	simm.s32 $0x13180  }
0xf1: {  	[tilespmem:s23], [sflag:$0x3] =	stream.linear.gather [hbm4b:s22+s21], $0x80, $0x200038;
	[tilespmem:$0x19A00] =	vst v63  }
0xf2: {  	s24 =	sadd.s32 $0x30, s30;
	s25 =	simm.s32 $0x13580  }
0xf3: {  	[tilespmem:s25], [sflag:$0x3] =	stream.linear.gather [hbm4b:s24+s21], $0x80, $0x200038;
	[tilespmem:$0x19A00] =	vst v63  }
0xf4: {  	s13 =	sadd.s32 $0x40, s30;
	s14 =	simm.s32 $0x13980  }
0xf5: {  	[tilespmem:s14], [sflag:$0x3] =	stream.linear.gather [hbm4b:s13+s21], $0x80, $0x200038;
	[tilespmem:$0x19A00] =	vst v63  }
0xf6: {  	s15 =	simm.s32 $0x12A00  }
0xf7: {  	[tilespmem:s15], [sflag:$0x3] =	stream.linear.gather [hbm4b:s31+s21], $0x80, $0x200038;
	[tilespmem:$0x19A00] =	vst v63  }
0xf8: {  	s22 =	sadd.s32 $0x10, s31;
	s23 =	simm.s32 $0x12E00  }
0xf9: {  	[tilespmem:s23], [sflag:$0x3] =	stream.linear.gather [hbm4b:s22+s21], $0x80, $0x200038;
	[tilespmem:$0x19A00] =	vst v63  }
0xfa: {  	s24 =	sadd.s32 $0x20, s31;
	s25 =	simm.s32 $0x13200  }
0xfb: {  	[tilespmem:s25], [sflag:$0x3] =	stream.linear.gather [hbm4b:s24+s21], $0x80, $0x200038;
	[tilespmem:$0x19A00] =	vst v63  }
0xfc: {  	s13 =	sadd.s32 $0x30, s31;
	s14 =	simm.s32 $0x13600  }
0xfd: {  	[tilespmem:s14], [sflag:$0x3] =	stream.linear.gather [hbm4b:s13+s21], $0x80, $0x200038;
	[tilespmem:$0x19A00] =	vst v63  }
0xfe: {  	s15 =	sadd.s32 $0x40, s31;
	s22 =	simm.s32 $0x13A00  }
0xff: {  	[tilespmem:s22], [sflag:$0x3] =	stream.linear.gather [hbm4b:s15+s21], $0x80, $0x200038;
	[tilespmem:$0x19A00] =	vst v63  }
0x100: {  	s23 =	simm.s32 $0x12A80  }
0x101: {  	[tilespmem:s23], [sflag:$0x3] =	stream.linear.gather [hbm4b:s0+s21], $0x80, $0x200038;
	[tilespmem:$0x19A00] =	vst v63  }
0x102: {  	s24 =	sadd.s32 $0x10, s0;
	s25 =	simm.s32 $0x12E80  }
0x103: {  	[tilespmem:s25], [sflag:$0x3] =	stream.linear.gather [hbm4b:s24+s21], $0x80, $0x200038;
	[tilespmem:$0x19A00] =	vst v63  }
0x104: {  	s13 =	sadd.s32 $0x20, s0;
	s14 =	simm.s32 $0x13280  }
0x105: {  	[tilespmem:s14], [sflag:$0x3] =	stream.linear.gather [hbm4b:s13+s21], $0x80, $0x200038;
	[tilespmem:$0x19A00] =	vst v63  }
0x106: {  	s15 =	sadd.s32 $0x30, s0;
	s22 =	simm.s32 $0x13680  }
0x107: {  	[tilespmem:s22], [sflag:$0x3] =	stream.linear.gather [hbm4b:s15+s21], $0x80, $0x200038;
	[tilespmem:$0x19A00] =	vst v63  }
0x108: {  	s23 =	sadd.s32 $0x40, s0;
	s24 =	simm.s32 $0x13A80  }
0x109: {  	[tilespmem:s24], [sflag:$0x3] =	stream.linear.gather [hbm4b:s23+s21], $0x80, $0x200038;
	[tilespmem:$0x19A00] =	vst v63  }
0x10a: {  	s25 =	simm.s32 $0x12B00  }
0x10b: {  	[tilespmem:s25], [sflag:$0x3] =	stream.linear.gather [hbm4b:s1+s21], $0x80, $0x200038;
	[tilespmem:$0x19A00] =	vst v63  }
0x10c: {  	s11 =	sadd.s32 $0x10, s1;
	s13 =	simm.s32 $0x12F00  }
0x10d: {  	[tilespmem:s13], [sflag:$0x3] =	stream.linear.gather [hbm4b:s11+s21], $0x80, $0x200038;
	[tilespmem:$0x19A00] =	vst v63  }
0x10e: {  	s14 =	sadd.s32 $0x20, s1;
	s15 =	simm.s32 $0x13300  }
0x10f: {  	[tilespmem:s15], [sflag:$0x3] =	stream.linear.gather [hbm4b:s14+s21], $0x80, $0x200038;
	[tilespmem:$0x19A00] =	vst v63  }
0x110: {  	s22 =	sadd.s32 $0x30, s1;
	s23 =	simm.s32 $0x13700  }
0x111: {  	[tilespmem:s23], [sflag:$0x3] =	stream.linear.gather [hbm4b:s22+s21], $0x80, $0x200038;
	[tilespmem:$0x19A00] =	vst v63  }
0x112: {  	s24 =	sadd.s32 $0x40, s1;
	s25 =	simm.s32 $0x13B00  }
0x113: {  	[tilespmem:s25], [sflag:$0x3] =	stream.linear.gather [hbm4b:s24+s21], $0x80, $0x200038;
	[tilespmem:$0x19A00] =	vst v63  }
0x114: {  	s13 =	simm.s32 $0x12B80  }
0x115: {  	[tilespmem:s13], [sflag:$0x3] =	stream.linear.gather [hbm4b:s5+s21], $0x80, $0x200038;
	[tilespmem:$0x19A00] =	vst v63  }
0x116: {  	s14 =	sadd.s32 $0x10, s5;
	s15 =	simm.s32 $0x12F80  }
0x117: {  	[tilespmem:s15], [sflag:$0x3] =	stream.linear.gather [hbm4b:s14+s21], $0x80, $0x200038;
	[tilespmem:$0x19A00] =	vst v63  }
0x118: {  	s22 =	sadd.s32 $0x20, s5;
	s23 =	simm.s32 $0x13380  }
0x119: {  	[tilespmem:s23], [sflag:$0x3] =	stream.linear.gather [hbm4b:s22+s21], $0x80, $0x200038;
	[tilespmem:$0x19A00] =	vst v63  }
0x11a: {  	s24 =	sadd.s32 $0x30, s5;
	s25 =	simm.s32 $0x13780  }
0x11b: {  	[tilespmem:s25], [sflag:$0x3] =	stream.linear.gather [hbm4b:s24+s21], $0x80, $0x200038;
	[tilespmem:$0x19A00] =	vst v63  }
0x11c: {  	s13 =	sadd.s32 $0x40, s5;
	s14 =	simm.s32 $0x13B80  }
0x11d: {  	[tilespmem:s14], [sflag:$0x3] =	stream.linear.gather [hbm4b:s13+s21], $0x80, $0x200038;
	[tilespmem:$0x19A00] =	vst v63  }
0x11e: {  	_ =	swait.ge [sflag:s7], $0x280  }
0x11f: {  	[sflag:s7] =	ssyncset.done $0x0  }
0x120: {  	[sflag:s7] =	ssyncadd.s32 $0xFFFFFD80  }
0x121: {  	_ =	swait.ge [sflag:s7], $0x280  }
0x122: {  	[sflag:s7] =	ssyncset.done $0x0  }
0x123: {  	[sflag:s7] =	ssyncadd.s32 $0xFFFFFD80  }
0x124: {  	_ =	swait.ge [sflag:s7], $0x280  }
0x125: {  	[sflag:s7] =	ssyncset.done $0x0  }
0x126: {  	[sflag:s7] =	ssyncadd.s32 $0xFFFFFD80  }
0x127: {  	_ =	swait.ge [sflag:s7], $0x280  }
0x128: {  	[sflag:s7] =	ssyncset.done $0x0  }
0x129: {  	[sflag:s7] =	ssyncadd.s32 $0xFFFFFD80  }
0x12a: {  	_ =	swait.ge [sflag:s7], $0x280  }
0x12b: {  	[sflag:s7] =	ssyncset.done $0x0  }
0x12c: {  	[sflag:s7] =	ssyncadd.s32 $0xFFFFFD80  }
0x12d: {  	_ =	swait.ge [sflag:s7], $0x280  }
0x12e: {  	[sflag:s7] =	ssyncset.done $0x0  }
0x12f: {  	[sflag:s7] =	ssyncadd.s32 $0xFFFFFD80  }
0x130: {  	_ =	swait.ge [sflag:s7], $0x280  }
0x131: {  	[sflag:s7] =	ssyncset.done $0x0  }
0x132: {  	[sflag:s7] =	ssyncadd.s32 $0xFFFFFD80  }
0x133: {  	_ =	swait.ge [sflag:s7], $0x280  }
0x134: {  	[sflag:s7] =	ssyncset.done $0x0  }
0x135: {  	[sflag:s7] =	ssyncadd.s32 $0xFFFFFD80  }
0x136: {  	_ =	swait.ge [sflag:s7], $0x280  }
0x137: {  	[sflag:s7] =	ssyncset.done $0x0  }
0x138: {  	[sflag:s7] =	ssyncadd.s32 $0xFFFFFD80  }
0x139: {  	_ =	swait.ge [sflag:s7], $0x280  }
0x13a: {  	[sflag:s7] =	ssyncset.done $0x0  }
0x13b: {  	[sflag:s7] =	ssyncadd.s32 $0xFFFFFD80  }
0x13c: {  	_ =	swait.ge [sflag:s7], $0x280  }
0x13d: {  	[sflag:s7] =	ssyncset.done $0x0  }
0x13e: {  	[sflag:s7] =	ssyncadd.s32 $0xFFFFFD80  }
0x13f: {  	_ =	swait.ge [sflag:s7], $0x280  }
0x140: {  	[sflag:s7] =	ssyncset.done $0x0  }
0x141: {  	[sflag:s7] =	ssyncadd.s32 $0xFFFFFD80  }
0x142: {  	_ =	swait.ge [sflag:s7], $0x280  }
0x143: {  	[sflag:s7] =	ssyncset.done $0x0  }
0x144: {  	[sflag:s7] =	ssyncadd.s32 $0xFFFFFD80  }
0x145: {  	_ =	swait.ge [sflag:s7], $0x280  }
0x146: {  	[sflag:s7] =	ssyncset.done $0x0  }
0x147: {  	[sflag:s7] =	ssyncadd.s32 $0xFFFFFD80  }
0x148: {  	_ =	swait.ge [sflag:s7], $0x280  }
0x149: {  	[sflag:s7] =	ssyncset.done $0x0  }
0x14a: {  	[sflag:s7] =	ssyncadd.s32 $0xFFFFFD80  }
0x14b: {  	_ =	swait.ge [sflag:s7], $0x280  }
0x14c: {  	[sflag:s7] =	ssyncset.done $0x0  }
0x14d: {  	[sflag:s7] =	ssyncadd.s32 $0xFFFFFD80  }
0x14e: {  	s15 =	sand.u32 $0x70, s21;
	s21 =	sand.u32 $0x1C00, s21;
	_ =	strace $0x9000004A  }
0x14f: {  	s2 =	sor.u32 s15, s21;
	_ =	strace $0x8000004B  }
0x150: {  	s11 =	sadd.s32 $0x11400, s2;
	v4 =	vld [tilespmem:s2+$0x11400]  }
0x151: {  	v5 =	vld [tilespmem:s11+$0x80]  }
0x152: {  	v6 =	vld [tilespmem:s11+$0x100]  }
0x153: {  	v7 =	vld [tilespmem:s11+$0x180]  }
0x154: {  	v8 =	vld [tilespmem:s11+$0x200]  }
0x155: {  	v9 =	vld [tilespmem:s11+$0x280]  }
0x156: {  	v4 =	vadd.s32 v4, v5;
	v5 =	vld [tilespmem:s11+$0x300]  }
0x157: {  	v4 =	vadd.s32 v6, v4;
	v6 =	vld [tilespmem:s11+$0x380]  }
0x158: {  	v4 =	vadd.s32 v7, v4;
	v7 =	vld [tilespmem:s2+$0x12800]  }
0x159: {  	v60 =	vld [tilespmem:s2+$0x12880];
	v4 =	vadd.s32 v8, v4  }
0x15a: {  	v61 =	vld [tilespmem:s2+$0x12900];
	v4 =	vadd.s32 v9, v4  }
0x15b: {  	v4 =	vadd.s32 v5, v4;
	v5 =	vld [tilespmem:s2+$0x12980]  }
0x15c: {  	v4 =	vadd.s32 v6, v4;
	v6 =	vld [tilespmem:s2+$0x12A00]  }
0x15d: {  	v4 =	vadd.s32 v7, v4;
	v7 =	vld [tilespmem:s2+$0x12A80]  }
0x15e: {  	v62 =	vld [tilespmem:s2+$0x12B00];
	v4 =	vadd.s32 v60, v4  }
0x15f: {  	v63 =	vld [tilespmem:s2+$0x12B80];
	v4 =	vadd.s32 v61, v4  }
0x160: {  	v4 =	vadd.s32 v5, v4  }
0x161: {  	v4 =	vadd.s32 v6, v4  }
0x162: {  	v4 =	vadd.s32 v7, v4  }
0x163: {  	v4 =	vadd.s32 v62, v4  }
0x164: {  	v4 =	vadd.s32 v63, v4  }
0x165: {  	v4 =	vcvt.s32.f32 v4;
	_ =	sdelay $0x1  }
0x166: {  	v4 =	vadd.f32 $1.000000000e+00, v4;
	_ =	sdelay $0x1  }
0x167: {  	v5 =	vshra.s32 v4, $0x1;
	v4 =	vmul.f32 $5.000000000e-01, v4  }
0x168: {  	v5 =	vsub.s32 $0x5F3759DF, v5  }
0x169: {  	v6 =	vmul.f32 v5, v4;
	_ =	sdelay $0x1  }
0x16a: {  	v6 =	vmul.f32 v5, v6;
	_ =	sdelay $0x1  }
0x16b: {  	v6 =	vsub.f32 $1.500000000e+00, v6;
	_ =	sdelay $0x1  }
0x16c: {  	v5 =	vmul.f32 v5, v6;
	_ =	sdelay $0x1  }
0x16d: {  	v6 =	vmul.f32 v5, v4;
	_ =	sdelay $0x1  }
0x16e: {  	v6 =	vmul.f32 v6, v5;
	_ =	sdelay $0x1  }
0x16f: {  	v6 =	vsub.f32 $1.500000000e+00, v6;
	_ =	sdelay $0x1  }
0x170: {  	v5 =	vmul.f32 v6, v5;
	_ =	sdelay $0x1  }
0x171: {  	v4 =	vmul.f32 v5, v4;
	_ =	sdelay $0x1  }
0x172: {  	s21 =	simm.s32 $0x13C00;
	v4 =	vmul.f32 v4, v5  }
0x173: {  	v6 =	vld [tilespmem:s21+$0x0]  }
0x174: {  	v4 =	vsub.f32 $1.500000000e+00, v4;
	_ =	sdelay $0x1  }
0x175: {  	v4 =	vmul.f32 v4, v5;
	_ =	sdelay $0x1  }
0x176: {  	v5 =	vmul.f32 v4, v6  }
0x177: {  	s22 =	simm.s32 $0x14100  }
0x178: {  	s23 =	simm.s32 $0x13E80;
	[tilespmem:s22+$0x0] =	vst v5  }
0x179: {  	v5 =	vld [tilespmem:s23+$0x0];
	_ =	sdelay $0x3  }
0x17a: {  	s25 =	simm.s32 $0x14380;
	s24 =	simm.s32 $0x10;
	s11 =	simm.s32 $0x80  }
0x17b: {  	s13 =	sand.u32 $0x70, s24;
	s24 =	simm.s32 $0x14110;
	s15 =	sand.u32 $0x1C00, s11;
	v4 =	vand.u32 $0xFFFFFC00, v4;
	v5 =	vshll.u32 v5, $0x4  }
0x17c: {  	s2 =	simm.s32 $0x20;
	s22 =	simm.s32 $0x14390;
	s23 =	simm.s32 $0x13E90;
	v4 =	vor.u32 v5, v4  }
.LBB2_6:
0x17d: {  	s15 =	sor.u32 s13, s15;
	s21 =	sadd.s32 $0x10, s21  }
0x17e: {  	[tilespmem:s25+$0x0] =	vst v4;
	s13 =	smov.u32 s2;
	s14 =	sadd.s32 $0x10, s2;
	s25 =	smov.u32 s22  }
0x17f: {  	p2 =	sne.s32 s2, $0x270;
	s2 =	sadd.s32 $0x11400, s15;
	v4 =	vld [tilespmem:s15+$0x11400]  }
0x180: {  	v5 =	vld [tilespmem:s2+$0x80]  }
0x181: {  	v6 =	vld [tilespmem:s2+$0x100]  }
0x182: {  	v7 =	vld [tilespmem:s2+$0x180]  }
0x183: {  	v8 =	vld [tilespmem:s2+$0x200]  }
0x184: {  	v9 =	vld [tilespmem:s2+$0x280]  }
0x185: {  	v4 =	vadd.s32 v4, v5;
	v5 =	vld [tilespmem:s2+$0x300]  }
0x186: {  	v4 =	vadd.s32 v6, v4;
	v6 =	vld [tilespmem:s2+$0x380]  }
0x187: {  	v4 =	vadd.s32 v7, v4;
	v7 =	vld [tilespmem:s15+$0x12800]  }
0x188: {  	v4 =	vadd.s32 v8, v4;
	v8 =	vld [tilespmem:s15+$0x12880]  }
0x189: {  	v4 =	vadd.s32 v9, v4;
	v9 =	vld [tilespmem:s15+$0x12900]  }
0x18a: {  	v4 =	vadd.s32 v5, v4;
	v5 =	vld [tilespmem:s15+$0x12980]  }
0x18b: {  	v4 =	vadd.s32 v6, v4;
	v6 =	vld [tilespmem:s15+$0x12A00]  }
0x18c: {  	v4 =	vadd.s32 v7, v4;
	v7 =	vld [tilespmem:s15+$0x12A80]  }
0x18d: {  	v4 =	vadd.s32 v8, v4;
	v8 =	vld [tilespmem:s15+$0x12B00]  }
0x18e: {  	v4 =	vadd.s32 v9, v4;
	v9 =	vld [tilespmem:s15+$0x12B80]  }
0x18f: {  	v4 =	vadd.s32 v5, v4  }
0x190: {  	v4 =	vadd.s32 v6, v4  }
0x191: {  	v4 =	vadd.s32 v7, v4  }
0x192: {  	v4 =	vadd.s32 v8, v4  }
0x193: {  	v4 =	vadd.s32 v9, v4  }
0x194: {  	v4 =	vcvt.s32.f32 v4;
	_ =	sdelay $0x1  }
0x195: {  	v4 =	vadd.f32 $1.000000000e+00, v4;
	_ =	sdelay $0x1  }
0x196: {  	v5 =	vshra.s32 v4, $0x1;
	v4 =	vmul.f32 $5.000000000e-01, v4  }
0x197: {  	v5 =	vsub.s32 $0x5F3759DF, v5  }
0x198: {  	v6 =	vmul.f32 v5, v4;
	_ =	sdelay $0x1  }
0x199: {  	v6 =	vmul.f32 v5, v6;
	_ =	sdelay $0x1  }
0x19a: {  	v6 =	vsub.f32 $1.500000000e+00, v6;
	_ =	sdelay $0x1  }
0x19b: {  	v5 =	vmul.f32 v5, v6;
	_ =	sdelay $0x1  }
0x19c: {  	v6 =	vmul.f32 v5, v4;
	_ =	sdelay $0x1  }
0x19d: {  	v6 =	vmul.f32 v6, v5;
	_ =	sdelay $0x1  }
0x19e: {  	v6 =	vsub.f32 $1.500000000e+00, v6;
	_ =	sdelay $0x1  }
0x19f: {  	v5 =	vmul.f32 v6, v5;
	_ =	sdelay $0x1  }
0x1a0: {  	v4 =	vmul.f32 v5, v4;
	_ =	sdelay $0x1  }
0x1a1: {  	v4 =	vmul.f32 v4, v5  }
0x1a2: {  	v6 =	vld [tilespmem:s21+$0x0]  }
0x1a3: {  	v4 =	vsub.f32 $1.500000000e+00, v4;
	_ =	sdelay $0x1  }
0x1a4: {  	v4 =	vmul.f32 v4, v5;
	_ =	sdelay $0x1  }
0x1a5: {  	v5 =	vmul.f32 v4, v6;
	_ =	sdelay $0x1  }
0x1a6: {  	[tilespmem:s24+$0x0] =	vst v5  }
0x1a7: {  	v5 =	vld [tilespmem:s23+$0x0];
	_ =	sdelay $0x1  }
.Ltmp2:
0x1a8: {  	(pc) =	sbr.rel @p2 .LBB2_6-.Ltmp2, $4  }
0x1a9: {  	_ = 	snop  }
0x1aa: {  	s11 =	sadd.s32 $0x80, s11  }
0x1ab: {  	s22 =	sadd.s32 $0x10, s22;
	s13 =	sand.u32 $0x70, s13;
	v4 =	vand.u32 $0xFFFFFC00, v4;
	s23 =	sadd.s32 $0x10, s23;
	v5 =	vshll.u32 v5, $0x4  }
0x1ac: {  	s2 =	smov.u32 s14;
	s15 =	sand.u32 $0x1C00, s11;
	s24 =	sadd.s32 $0x10, s24;
	v4 =	vor.u32 v5, v4  }
0x1ad: {  	s2 =	sor.u32 s13, s15;
	[tilespmem:s25+$0x0] =	vst v4  }
0x1ae: {  	s11 =	sadd.s32 $0x11400, s2;
	v4 =	vld [tilespmem:s2+$0x11400]  }
0x1af: {  	v5 =	vld [tilespmem:s11+$0x80]  }
0x1b0: {  	v6 =	vld [tilespmem:s11+$0x100]  }
0x1b1: {  	v7 =	vld [tilespmem:s11+$0x180]  }
0x1b2: {  	v8 =	vld [tilespmem:s11+$0x200]  }
0x1b3: {  	v9 =	vld [tilespmem:s11+$0x280]  }
0x1b4: {  	v4 =	vadd.s32 v4, v5;
	v5 =	vld [tilespmem:s11+$0x300]  }
0x1b5: {  	v54 =	vld [tilespmem:s11+$0x380];
	v4 =	vadd.s32 v6, v4  }
0x1b6: {  	v55 =	vld [tilespmem:s2+$0x12800];
	v4 =	vadd.s32 v7, v4  }
0x1b7: {  	v56 =	vld [tilespmem:s2+$0x12880];
	v4 =	vadd.s32 v8, v4  }
0x1b8: {  	v57 =	vld [tilespmem:s2+$0x12900];
	v4 =	vadd.s32 v9, v4  }
0x1b9: {  	v4 =	vadd.s32 v5, v4;
	v5 =	vld [tilespmem:s2+$0x12980]  }
0x1ba: {  	v58 =	vld [tilespmem:s2+$0x12A00];
	v4 =	vadd.s32 v54, v4  }
0x1bb: {  	v59 =	vld [tilespmem:s2+$0x12A80];
	v4 =	vadd.s32 v55, v4  }
0x1bc: {  	v60 =	vld [tilespmem:s2+$0x12B00];
	v4 =	vadd.s32 v56, v4  }
0x1bd: {  	v61 =	vld [tilespmem:s2+$0x12B80];
	v4 =	vadd.s32 v57, v4  }
0x1be: {  	v4 =	vadd.s32 v5, v4  }
0x1bf: {  	v4 =	vadd.s32 v58, v4  }
0x1c0: {  	v4 =	vadd.s32 v59, v4  }
0x1c1: {  	v4 =	vadd.s32 v60, v4  }
0x1c2: {  	v4 =	vadd.s32 v61, v4  }
0x1c3: {  	v4 =	vcvt.s32.f32 v4;
	_ =	sdelay $0x1  }
0x1c4: {  	v4 =	vadd.f32 $1.000000000e+00, v4;
	_ =	sdelay $0x1  }
0x1c5: {  	v5 =	vshra.s32 v4, $0x1;
	v4 =	vmul.f32 $5.000000000e-01, v4  }
0x1c6: {  	v5 =	vsub.s32 $0x5F3759DF, v5  }
0x1c7: {  	v62 =	vmul.f32 v5, v4;
	_ =	sdelay $0x1  }
0x1c8: {  	v6 =	vmul.f32 v5, v62;
	_ =	sdelay $0x1  }
0x1c9: {  	v6 =	vsub.f32 $1.500000000e+00, v6;
	_ =	sdelay $0x1  }
0x1ca: {  	v5 =	vmul.f32 v5, v6;
	_ =	sdelay $0x1  }
0x1cb: {  	v6 =	vmul.f32 v5, v4;
	_ =	sdelay $0x1  }
0x1cc: {  	v6 =	vmul.f32 v6, v5;
	_ =	sdelay $0x1  }
0x1cd: {  	v6 =	vsub.f32 $1.500000000e+00, v6;
	_ =	sdelay $0x1  }
0x1ce: {  	v5 =	vmul.f32 v6, v5;
	_ =	sdelay $0x1  }
0x1cf: {  	v4 =	vmul.f32 v5, v4;
	_ =	sdelay $0x1  }
0x1d0: {  	s13 =	sadd.s32 $0x10, s21;
	v4 =	vmul.f32 v4, v5  }
0x1d1: {  	v63 =	vld [tilespmem:s13+$0x0]  }
0x1d2: {  	v4 =	vsub.f32 $1.500000000e+00, v4;
	_ =	sdelay $0x1  }
0x1d3: {  	v4 =	vmul.f32 v4, v5;
	_ =	sdelay $0x1  }
0x1d4: {  	v5 =	vmul.f32 v4, v63;
	_ =	sdelay $0x1  }
0x1d5: {  	[tilespmem:s24+$0x0] =	vst v5  }
0x1d6: {  	v5 =	vld [tilespmem:s23+$0x0];
	_ =	sdelay $0x4  }
0x1d7: {  	v4 =	vand.u32 $0xFFFFFC00, v4;
	v5 =	vshll.u32 v5, $0x4  }
0x1d8: {  	v4 =	vor.u32 v5, v4  }
0x1d9: {  	s14 =	simm.s32 $0x0;
	s15 =	rddreg [dreg:$0xf];
	s21 =	simm.s32 $0x14100;
	[tilespmem:s22+$0x0] =	vst v4  }
0x1da: {  	[hbm4b:s15+s14] =	stream.linear.scatter [tilespmem:s21], [sflag:$0x4], $0x280, $0x200038;
	[tilespmem:$0x19A00] =	vst v63  }
0x1db: {  	_ =	swait.ge [sflag:s6], $0x280  }
0x1dc: {  	[sflag:s6] =	ssyncset.done $0x0  }
0x1dd: {  	s23 =	simm.s32 $0x14380;
	s22 =	rddreg [dreg:$0x10];
	[sflag:s6] =	ssyncadd.s32 $0xFFFFFD80  }
0x1de: {  	[hbm4b:s22+s14] =	stream.linear.scatter [tilespmem:s23], [sflag:$0x4], $0x280, $0x200038;
	[tilespmem:$0x19A00] =	vst v63  }
0x1df: {  	_ =	swait.ge [sflag:s6], $0x280  }
0x1e0: {  	[sflag:s6] =	ssyncset.done $0x0  }
0x1e1: {  	[sflag:s6] =	ssyncadd.s32 $0xFFFFFD80  }
0x1e2: {  	[bflag:$0x0] =	sbarrier.arrive $0xFFFF  }
0x1e3: {  	_ =	strace $0x9000004B  }
0x1e4: {  	_ =	strace $0x8000004C  }
0x1e5: {  	s24 =	rddreg [dreg:$0x3]  }
0x1e6: {  	[tilespmem:s3], [sflag:$0x1] =	stream.linear.gather [hbm4b:s24+s14], $0x2800, $0x200038;
	[tilespmem:$0x19A00] =	vst v63  }
0x1e7: {  	s11 =	simm.s32 $0x0;
	s2 =	simm.s32 $0x40;
	s25 =	rddreg [dreg:$0x4]  }
0x1e8: {  	[tilespmem:s9], [sflag:$0x2] =	stream.linear.gather [hbm4b:s25+s14], $0x2800, $0x200038;
	[tilespmem:$0x19A00] =	vst v63  }
.LBB2_8:
0x1e9: {  	p2 =	sne.s32 s2, $0xFC0;
	[tilespmem:s11+$0x19600] =	vst v2;
	s11 =	smov.u32 s2;
	s2 =	sadd.s32 $0x40, s2  }
.Ltmp3:
0x1ea: {  	(pc) =	sbr.rel @p2 .LBB2_8-.Ltmp3, $2  }
0x1eb: {  	_ =	sdelay $0x2  }
0x1ec: {  	s11 =	sshra.s32 s11, $0x2  }
0x1ed: {  	[tilespmem:s11+$0x19600] =	vst v2  }
0x1ee: {  	_ =	swait.ge [sflag:s10], $0x4E00  }
0x1ef: {  	[sflag:s10] =	ssyncset.done $0x0  }
0x1f0: {  	[sflag:s10] =	ssyncadd.s32 $0xFFFFB200  }
0x1f1: {  	_ =	swait.ge [sflag:s10], $0x100  }
0x1f2: {  	[sflag:s10] =	ssyncset.done $0x0  }
0x1f3: {  	[sflag:s10] =	ssyncadd.s32 $0xFFFFFF00  }
0x1f4: {  	_ =	swait.ge [sflag:s10], $0x2800  }
0x1f5: {  	[sflag:s10] =	ssyncset.done $0x0  }
0x1f6: {  	s2 =	simm.s32 $0x2;
	[sflag:s10] =	ssyncadd.s32 $0xFFFFD800  }
0x1f7: {  	_ =	swait.ge [sflag:s2], $0x2800  }
0x1f8: {  	[sflag:s2] =	ssyncset.done $0x0  }
0x1f9: {  	[sflag:s2] =	ssyncadd.s32 $0xFFFFD800  }
0x1fa: {  	s11 =	simm.s32 $0x80;
	_ =	strace $0x9000004C  }
0x1fb: {  	s15 =	simm.s32 $0x0;
	s2 =	simm.s32 $0xFFFFFFF8;
	_ =	strace $0x8000004D  }
.LBB2_10:
0x1fc: {  	v4 =	vld [tilespmem:s11+$0x0];
	_ =	sdelay $0x3  }
0x1fd: {  	v5 =	vld [tilespmem:s11+$0xFFFFFF80];
	_ =	sdelay $0x3  }
0x1fe: {  	v4 =	vld.idx.msk [tilespmem:v4+s9+$0x0], $0xffff;
	_ =	sdelay $0x3  }
0x1ff: {  	v5 =	vld.idx.msk [tilespmem:v5+s3+$0x0], $0xffff  }
0x200: {  	v6 =	vand.u32 $0x3F0, v4  }
0x201: {  	v6 =	vor.u32 v3, v6;
	_ =	sdelay $0x1  }
0x202: {  	v4 =	vand.u32 $0xFFFFFC00, v4  }
0x203: {  	v4 =	vmul.f32 v4, v5;
	_ =	sdelay $0x1  }
0x204: {  	[tilespmem:v6+s4+$0x0] =	vst.idx.add.f32.msk $0xffff, v4  }
0x205: {  	v4 =	vld [tilespmem:s11+$0x10];
	_ =	sdelay $0x3  }
0x206: {  	v5 =	vld [tilespmem:s11+$0xFFFFFF90];
	_ =	sdelay $0x3  }
0x207: {  	v4 =	vld.idx.msk [tilespmem:v4+s9+$0x0], $0xffff;
	_ =	sdelay $0x3  }
0x208: {  	v5 =	vld.idx.msk [tilespmem:v5+s3+$0x0], $0xffff  }
0x209: {  	v57 =	vand.u32 $0x3F0, v4  }
0x20a: {  	v6 =	vor.u32 v3, v57;
	_ =	sdelay $0x1  }
0x20b: {  	v4 =	vand.u32 $0xFFFFFC00, v4  }
0x20c: {  	v4 =	vmul.f32 v4, v5;
	_ =	sdelay $0x1  }
0x20d: {  	[tilespmem:v6+s4+$0x0] =	vst.idx.add.f32.msk $0xffff, v4  }
0x20e: {  	v4 =	vld [tilespmem:s11+$0x20];
	_ =	sdelay $0x3  }
0x20f: {  	v5 =	vld [tilespmem:s11+$0xFFFFFFA0];
	_ =	sdelay $0x3  }
0x210: {  	v4 =	vld.idx.msk [tilespmem:v4+s9+$0x0], $0xffff;
	_ =	sdelay $0x3  }
0x211: {  	v5 =	vld.idx.msk [tilespmem:v5+s3+$0x0], $0xffff  }
0x212: {  	v58 =	vand.u32 $0x3F0, v4  }
0x213: {  	v6 =	vor.u32 v3, v58;
	_ =	sdelay $0x1  }
0x214: {  	v4 =	vand.u32 $0xFFFFFC00, v4  }
0x215: {  	v4 =	vmul.f32 v4, v5;
	_ =	sdelay $0x1  }
0x216: {  	[tilespmem:v6+s4+$0x0] =	vst.idx.add.f32.msk $0xffff, v4  }
0x217: {  	v4 =	vld [tilespmem:s11+$0x30];
	_ =	sdelay $0x3  }
0x218: {  	v5 =	vld [tilespmem:s11+$0xFFFFFFB0];
	_ =	sdelay $0x3  }
0x219: {  	v4 =	vld.idx.msk [tilespmem:v4+s9+$0x0], $0xffff;
	_ =	sdelay $0x3  }
0x21a: {  	v5 =	vld.idx.msk [tilespmem:v5+s3+$0x0], $0xffff  }
0x21b: {  	v59 =	vand.u32 $0x3F0, v4  }
0x21c: {  	v6 =	vor.u32 v3, v59;
	_ =	sdelay $0x1  }
0x21d: {  	v4 =	vand.u32 $0xFFFFFC00, v4  }
0x21e: {  	v4 =	vmul.f32 v4, v5;
	_ =	sdelay $0x1  }
0x21f: {  	[tilespmem:v6+s4+$0x0] =	vst.idx.add.f32.msk $0xffff, v4  }
0x220: {  	v4 =	vld [tilespmem:s11+$0x40];
	_ =	sdelay $0x3  }
0x221: {  	v5 =	vld [tilespmem:s11+$0xFFFFFFC0];
	_ =	sdelay $0x3  }
0x222: {  	v4 =	vld.idx.msk [tilespmem:v4+s9+$0x0], $0xffff;
	_ =	sdelay $0x3  }
0x223: {  	v5 =	vld.idx.msk [tilespmem:v5+s3+$0x0], $0xffff  }
0x224: {  	v60 =	vand.u32 $0x3F0, v4  }
0x225: {  	v6 =	vor.u32 v3, v60;
	_ =	sdelay $0x1  }
0x226: {  	v4 =	vand.u32 $0xFFFFFC00, v4  }
0x227: {  	v4 =	vmul.f32 v4, v5;
	_ =	sdelay $0x1  }
0x228: {  	[tilespmem:v6+s4+$0x0] =	vst.idx.add.f32.msk $0xffff, v4  }
0x229: {  	v4 =	vld [tilespmem:s11+$0x50];
	_ =	sdelay $0x3  }
0x22a: {  	v5 =	vld [tilespmem:s11+$0xFFFFFFD0];
	_ =	sdelay $0x3  }
0x22b: {  	v4 =	vld.idx.msk [tilespmem:v4+s9+$0x0], $0xffff;
	_ =	sdelay $0x3  }
0x22c: {  	v5 =	vld.idx.msk [tilespmem:v5+s3+$0x0], $0xffff  }
0x22d: {  	v61 =	vand.u32 $0x3F0, v4  }
0x22e: {  	v6 =	vor.u32 v3, v61;
	_ =	sdelay $0x1  }
0x22f: {  	v4 =	vand.u32 $0xFFFFFC00, v4  }
0x230: {  	v4 =	vmul.f32 v4, v5;
	_ =	sdelay $0x1  }
0x231: {  	[tilespmem:v6+s4+$0x0] =	vst.idx.add.f32.msk $0xffff, v4  }
0x232: {  	v4 =	vld [tilespmem:s11+$0x60];
	_ =	sdelay $0x3  }
0x233: {  	v5 =	vld [tilespmem:s11+$0xFFFFFFE0];
	_ =	sdelay $0x3  }
0x234: {  	v4 =	vld.idx.msk [tilespmem:v4+s9+$0x0], $0xffff;
	_ =	sdelay $0x3  }
0x235: {  	v5 =	vld.idx.msk [tilespmem:v5+s3+$0x0], $0xffff  }
0x236: {  	v62 =	vand.u32 $0x3F0, v4  }
0x237: {  	v6 =	vor.u32 v3, v62;
	_ =	sdelay $0x1  }
0x238: {  	v4 =	vand.u32 $0xFFFFFC00, v4  }
0x239: {  	v4 =	vmul.f32 v4, v5;
	_ =	sdelay $0x1  }
0x23a: {  	[tilespmem:v6+s4+$0x0] =	vst.idx.add.f32.msk $0xffff, v4  }
0x23b: {  	v4 =	vld [tilespmem:s11+$0x70];
	_ =	sdelay $0x3  }
0x23c: {  	v5 =	vld [tilespmem:s11+$0xFFFFFFF0];
	_ =	sdelay $0x3  }
0x23d: {  	v4 =	vld.idx.msk [tilespmem:v4+s9+$0x0], $0xffff;
	_ =	sdelay $0x3  }
0x23e: {  	v5 =	vld.idx.msk [tilespmem:v5+s3+$0x0], $0xffff  }
0x23f: {  	s2 =	sadd.s32 $0x8, s2;
	v63 =	vand.u32 $0x3F0, v4  }
0x240: {  	p2 =	slt.u32 s2, $0x268;
	v6 =	vor.u32 v3, v63  }
.Ltmp4:
0x241: {  	_ = 	snop;
	(pc) =	sbr.rel @p2 .LBB2_10-.Ltmp4, $3  }
0x242: {  	v4 =	vand.u32 $0xFFFFFC00, v4  }
0x243: {  	v4 =	vmul.f32 v4, v5;
	_ =	sdelay $0x1  }
0x244: {  	s11 =	sadd.s32 $0x100, s11;
	[tilespmem:v6+s4+$0x0] =	vst.idx.add.f32.msk $0xffff, v4  }
.Ltmp5:
0x245: {  	(pc) =	sbr.rel @p0 .LBB2_13-.Ltmp5, $1  }
0x246: {  	_ =	sdelay $0x3  }
0x247: {  	v4 =	vld [tilespmem:$0x4E80];
	_ =	sdelay $0x3  }
0x248: {  	v5 =	vld [tilespmem:$0x4E00];
	_ =	sdelay $0x3  }
0x249: {  	v4 =	vld.idx.msk [tilespmem:v4+s9+$0x0], $0xffff;
	_ =	sdelay $0x3  }
0x24a: {  	v5 =	vld.idx.msk [tilespmem:v5+s3+$0x0], $0xffff  }
0x24b: {  	v6 =	vand.u32 $0x3F0, v4  }
0x24c: {  	v6 =	vor.u32 v3, v6;
	_ =	sdelay $0x1  }
0x24d: {  	v4 =	vand.u32 $0xFFFFFC00, v4  }
0x24e: {  	v4 =	vmul.f32 v4, v5;
	_ =	sdelay $0x1  }
0x24f: {  	[tilespmem:v6+s4+$0x0] =	vst.idx.add.f32.msk $0xffff, v4  }
0x250: {  	v4 =	vld [tilespmem:$0x4E90];
	_ =	sdelay $0x3  }
0x251: {  	v5 =	vld [tilespmem:$0x4E10];
	_ =	sdelay $0x3  }
0x252: {  	v4 =	vld.idx.msk [tilespmem:v4+s9+$0x0], $0xffff;
	_ =	sdelay $0x3  }
0x253: {  	v5 =	vld.idx.msk [tilespmem:v5+s3+$0x0], $0xffff  }
0x254: {  	v57 =	vand.u32 $0x3F0, v4  }
0x255: {  	v6 =	vor.u32 v3, v57;
	_ =	sdelay $0x1  }
0x256: {  	v4 =	vand.u32 $0xFFFFFC00, v4  }
0x257: {  	v4 =	vmul.f32 v4, v5;
	_ =	sdelay $0x1  }
0x258: {  	[tilespmem:v6+s4+$0x0] =	vst.idx.add.f32.msk $0xffff, v4  }
0x259: {  	v4 =	vld [tilespmem:$0x4EA0];
	_ =	sdelay $0x3  }
0x25a: {  	v5 =	vld [tilespmem:$0x4E20];
	_ =	sdelay $0x3  }
0x25b: {  	v4 =	vld.idx.msk [tilespmem:v4+s9+$0x0], $0xffff;
	_ =	sdelay $0x3  }
0x25c: {  	v5 =	vld.idx.msk [tilespmem:v5+s3+$0x0], $0xffff  }
0x25d: {  	v58 =	vand.u32 $0x3F0, v4  }
0x25e: {  	v6 =	vor.u32 v3, v58;
	_ =	sdelay $0x1  }
0x25f: {  	v4 =	vand.u32 $0xFFFFFC00, v4  }
0x260: {  	v4 =	vmul.f32 v4, v5;
	_ =	sdelay $0x1  }
0x261: {  	[tilespmem:v6+s4+$0x0] =	vst.idx.add.f32.msk $0xffff, v4  }
0x262: {  	v4 =	vld [tilespmem:$0x4EB0];
	_ =	sdelay $0x3  }
0x263: {  	v5 =	vld [tilespmem:$0x4E30];
	_ =	sdelay $0x3  }
0x264: {  	v4 =	vld.idx.msk [tilespmem:v4+s9+$0x0], $0xffff;
	_ =	sdelay $0x3  }
0x265: {  	v5 =	vld.idx.msk [tilespmem:v5+s3+$0x0], $0xffff  }
0x266: {  	v59 =	vand.u32 $0x3F0, v4  }
0x267: {  	v6 =	vor.u32 v3, v59;
	_ =	sdelay $0x1  }
0x268: {  	v4 =	vand.u32 $0xFFFFFC00, v4  }
0x269: {  	v4 =	vmul.f32 v4, v5;
	_ =	sdelay $0x1  }
0x26a: {  	[tilespmem:v6+s4+$0x0] =	vst.idx.add.f32.msk $0xffff, v4  }
0x26b: {  	v4 =	vld [tilespmem:$0x4EC0];
	_ =	sdelay $0x3  }
0x26c: {  	v5 =	vld [tilespmem:$0x4E40];
	_ =	sdelay $0x3  }
0x26d: {  	v4 =	vld.idx.msk [tilespmem:v4+s9+$0x0], $0xffff;
	_ =	sdelay $0x3  }
0x26e: {  	v5 =	vld.idx.msk [tilespmem:v5+s3+$0x0], $0xffff  }
0x26f: {  	v60 =	vand.u32 $0x3F0, v4  }
0x270: {  	v6 =	vor.u32 v3, v60;
	_ =	sdelay $0x1  }
0x271: {  	v4 =	vand.u32 $0xFFFFFC00, v4  }
0x272: {  	v4 =	vmul.f32 v4, v5;
	_ =	sdelay $0x1  }
0x273: {  	[tilespmem:v6+s4+$0x0] =	vst.idx.add.f32.msk $0xffff, v4  }
0x274: {  	v4 =	vld [tilespmem:$0x4ED0];
	_ =	sdelay $0x3  }
0x275: {  	v5 =	vld [tilespmem:$0x4E50];
	_ =	sdelay $0x3  }
0x276: {  	v4 =	vld.idx.msk [tilespmem:v4+s9+$0x0], $0xffff;
	_ =	sdelay $0x3  }
0x277: {  	v5 =	vld.idx.msk [tilespmem:v5+s3+$0x0], $0xffff  }
0x278: {  	v61 =	vand.u32 $0x3F0, v4  }
0x279: {  	v6 =	vor.u32 v3, v61;
	_ =	sdelay $0x1  }
0x27a: {  	v4 =	vand.u32 $0xFFFFFC00, v4  }
0x27b: {  	v4 =	vmul.f32 v4, v5;
	_ =	sdelay $0x1  }
0x27c: {  	[tilespmem:v6+s4+$0x0] =	vst.idx.add.f32.msk $0xffff, v4  }
0x27d: {  	v4 =	vld [tilespmem:$0x4EE0];
	_ =	sdelay $0x3  }
0x27e: {  	v5 =	vld [tilespmem:$0x4E60];
	_ =	sdelay $0x3  }
0x27f: {  	v4 =	vld.idx.msk [tilespmem:v4+s9+$0x0], $0xffff;
	_ =	sdelay $0x3  }
0x280: {  	v5 =	vld.idx.msk [tilespmem:v5+s3+$0x0], $0xffff  }
0x281: {  	v62 =	vand.u32 $0x3F0, v4  }
0x282: {  	v6 =	vor.u32 v3, v62;
	_ =	sdelay $0x1  }
0x283: {  	v4 =	vand.u32 $0xFFFFFC00, v4  }
0x284: {  	v4 =	vmul.f32 v4, v5;
	_ =	sdelay $0x1  }
0x285: {  	[tilespmem:v6+s4+$0x0] =	vst.idx.add.f32.msk $0xffff, v4  }
0x286: {  	v4 =	vld [tilespmem:$0x4EF0];
	_ =	sdelay $0x3  }
0x287: {  	v5 =	vld [tilespmem:$0x4E70];
	_ =	sdelay $0x3  }
0x288: {  	v4 =	vld.idx.msk [tilespmem:v4+s9+$0x0], $0xffff;
	_ =	sdelay $0x3  }
0x289: {  	v5 =	vld.idx.msk [tilespmem:v5+s3+$0x0], $0xffff  }
0x28a: {  	v63 =	vand.u32 $0x3F0, v4  }
0x28b: {  	v6 =	vor.u32 v3, v63;
	_ =	sdelay $0x1  }
0x28c: {  	v4 =	vand.u32 $0xFFFFFC00, v4  }
0x28d: {  	v4 =	vmul.f32 v4, v5;
	_ =	sdelay $0x1  }
0x28e: {  	[tilespmem:v6+s4+$0x0] =	vst.idx.add.f32.msk $0xffff, v4  }
.LBB2_13:
0x28f: {  	_ =	strace $0x9000004D  }
0x290: {  	_ =	strace $0x8000004E  }
0x291: {  	s11 =	rddreg [dreg:$0x14]  }
0x292: {  	s2 =	simm.s32 $0xFFFFFFFC;
	s13 =	rddreg [dreg:$0x13]  }
.LBB2_14:
0x293: {  	v4 =	vld [tilespmem:s13+$0xFFFFFFE0];
	_ =	sdelay $0x3  }
0x294: {  	v5 =	vld [tilespmem:s11+$0xFFFFFFE0]  }
0x295: {  	v6 =	vand.u32 $0x3F0, v4  }
0x296: {  	v6 =	vor.u32 v3, v6;
	_ =	sdelay $0x1  }
0x297: {  	v4 =	vand.u32 $0xFFFFFC00, v4  }
0x298: {  	v4 =	vmul.f32 v4, v5;
	_ =	sdelay $0x1  }
0x299: {  	[tilespmem:v6+s4+$0x0] =	vst.idx.add.f32.msk $0xffff, v4  }
0x29a: {  	v4 =	vld [tilespmem:s13+$0xFFFFFFF0];
	_ =	sdelay $0x3  }
0x29b: {  	v5 =	vld [tilespmem:s11+$0xFFFFFFF0]  }
0x29c: {  	v61 =	vand.u32 $0x3F0, v4  }
0x29d: {  	v6 =	vor.u32 v3, v61;
	_ =	sdelay $0x1  }
0x29e: {  	v4 =	vand.u32 $0xFFFFFC00, v4  }
0x29f: {  	v4 =	vmul.f32 v4, v5;
	_ =	sdelay $0x1  }
0x2a0: {  	[tilespmem:v6+s4+$0x0] =	vst.idx.add.f32.msk $0xffff, v4  }
0x2a1: {  	v4 =	vld [tilespmem:s13+$0x0];
	_ =	sdelay $0x3  }
0x2a2: {  	v5 =	vld [tilespmem:s11+$0x0]  }
0x2a3: {  	v62 =	vand.u32 $0x3F0, v4  }
0x2a4: {  	v6 =	vor.u32 v3, v62;
	_ =	sdelay $0x1  }
0x2a5: {  	v4 =	vand.u32 $0xFFFFFC00, v4  }
0x2a6: {  	v4 =	vmul.f32 v4, v5;
	_ =	sdelay $0x1  }
0x2a7: {  	[tilespmem:v6+s4+$0x0] =	vst.idx.add.f32.msk $0xffff, v4  }
0x2a8: {  	v4 =	vld [tilespmem:s13+$0x10];
	_ =	sdelay $0x3  }
0x2a9: {  	v5 =	vld [tilespmem:s11+$0x10]  }
0x2aa: {  	s2 =	sadd.s32 $0x4, s2;
	v63 =	vand.u32 $0x3F0, v4  }
0x2ab: {  	p2 =	slt.u32 s2, $0x10;
	v6 =	vor.u32 v3, v63  }
.Ltmp6:
0x2ac: {  	_ = 	snop;
	(pc) =	sbr.rel @p2 .LBB2_14-.Ltmp6, $3  }
0x2ad: {  	v4 =	vand.u32 $0xFFFFFC00, v4  }
0x2ae: {  	v4 =	vmul.f32 v4, v5;
	_ =	sdelay $0x1  }
0x2af: {  	s13 =	sadd.s32 $0x40, s13;
	s11 =	sadd.s32 $0x40, s11;
	[tilespmem:v6+s4+$0x0] =	vst.idx.add.f32.msk $0xffff, v4  }
0x2b0: {  	s2 =	rddreg [dreg:$0x11]  }
0x2b1: {  	[hbm4b:s2+s15] =	stream.linear.scatter [tilespmem:s4], [sflag:$0x4], $0x400, $0x200038;
	[tilespmem:$0x19A00] =	vst v63  }
0x2b2: {  	_ =	swait.ge [sflag:s6], $0x400  }
0x2b3: {  	s20 =	sadd.s32 $0x1, s20;
	s25 =	rddreg [dreg:$0x12]  }
0x2b4: {  	p2 =	sne.s32 s20, s25  }
.Ltmp7:
0x2b5: {  	_ = 	snop;
	(pc) =	sbr.rel @p2 .LBB2_1-.Ltmp7, $4  }
0x2b6: {  	_ = 	snop  }
0x2b7: {  	[sflag:s6] =	ssyncset.done $0x0  }
0x2b8: {  	[sflag:s6] =	ssyncadd.s32 $0xFFFFFC00  }
0x2b9: {  	_ =	strace $0x9000004E  }
0x2ba: {  	_ =	sfence.sel $0x180000  }
0x2bb: {  	[bflag:$0x0] =	sbarrier.arrive $0xFFFF  }
0x2bc: {  	_ =	strace $0x90000047  }
0x2bd: {  	s0 =	stileid.u32;
	[bflag:$0x2] =	sbarrier.arrive $0xFFFF  }
0x2be: {  	p0 =	sne.s32 s0, $0x0;
	s0 =	rddreg [dreg:$0x2]  }
0x2bf: {  	s0 =	sadd.s32 @!p0 $0x100000, s0  }
0x2c0: {  	[sflag:s0] =	ssyncadd.tile.s32 @!p0 $0x1;
	_ =	shalt  }
.Lfunc_end2:
_tile_overlayer_lowered:
.L_overlay_start_2:
0x2c1: {  	(tag) =	ssettag $0x2  }
0x2c2: {  	s0 =	rddreg [dreg:$0x0];
	s2 =	stileid.u32  }
0x2c3: {  	s1 =	rddreg [dreg:$0x1];
	p0 =	sne.s32 s2, $0x0  }
0x2c4: {  	s3 =	rddreg [dreg:$0x2];
	[bflag:$0x3] =	sbarrier.arrive $0xFFFF;
	s2 =	simm.s32 @!p0 $0x1C04  }
0x2c5: {  	[timem:s3], [sflag:s2] =	dma.local @!p0 [hbm:s0], s1  }
0x2c6: {  	s0 =	simm.s32 @!p0 $0x4  }
0x2c7: {  	_ =	swait.ge @!p0 [sflag:s0], s1  }
0x2c8: {  	s1 =	ssub.s32 @!p0 $0x0, s1;
	[sflag:s0] =	ssyncset.done @!p0 $0x0  }
0x2c9: {  	[sflag:s0] =	ssyncadd.s32 @!p0 s1  }
0x2ca: {  	[bflag:$0x3] =	sbarrier.arrive $0xFFFF  }
0x2cb: {  	_ =	shalt  }

</sc_bundles>
